<compile_context>
chip_gen: v7x
topology: tpu7x:2x2x1
jax: 0.10.2.dev20260603
libtpu: 0.0.44.dev20260713+nightly
codegen_flags: <defaults>
</compile_context>

<pallas_src>
import functools

import jax
import jax.numpy as jnp
from jax import lax
from jax.experimental import pallas as pl
from jax.experimental.pallas import tpu as pltpu, tpu_sc as plsc

N_NODES = 10000
N_EDGES = 320000
IN_DIM = 128
NPAD = 10240
NROW = NPAD // 128

_MESH = plsc.VectorSubcoreMesh(core_axis_name="c", subcore_axis_name="s")
_NC = _MESH.num_cores
_NS = _MESH.num_subcores
_NW = _NC * _NS
_NPS = NPAD // _NS
_NBLK = N_EDGES // 128
_BUFB = 158
_SC_PARAMS = pltpu.CompilerParams(needs_layout_passes=False)


def _blk_start(w):
    return 78 * w + jnp.maximum(0, w - 28)


def _newton_rsqrt(a):
    i = plsc.bitcast(a, jnp.int32)
    y = plsc.bitcast(jnp.int32(0x5F3759DF) - (i >> 1), jnp.float32)
    half = a * 0.5
    for _ in range(3):
        y = y * (1.5 - half * y * y)
    return y


@functools.partial(
    pl.kernel,
    out_type=(
        jax.ShapeDtypeStruct((_NW, NPAD), jnp.float32),
        jax.ShapeDtypeStruct((NPAD,), jnp.float32),
        jax.ShapeDtypeStruct((NPAD,), jnp.float32),
    ),
    mesh=_MESH,
    scratch_types=[
        pltpu.VMEM((2, _BUFB * 128), jnp.int32),
        pltpu.VMEM((NPAD,), jnp.float32),
        pltpu.VMEM((NPAD,), jnp.float32),
        pltpu.VMEM((_NS, _NPS), jnp.float32),
        pltpu.VMEM((_NPS,), jnp.float32),
        pltpu.VMEM((_NPS,), jnp.float32),
        pltpu.VMEM((_NPS,), jnp.float32),
        pltpu.VMEM((_NPS,), jnp.float32),
        pltpu.VMEM((NPAD,), jnp.float32),
        pltpu.VMEM_SHARED((_NS, NPAD), jnp.float32),
        pltpu.VMEM_SHARED((NPAD,), jnp.float32),
        pltpu.SemaphoreType.DMA,
        pltpu.SemaphoreType.DMA,
        pltpu.SemaphoreType.DMA,
        pltpu.SemaphoreType.DMA,
    ],
    compiler_params=_SC_PARAMS,
)
def _sc_main(ei_hbm, z_hbm, zeros_hbm,
             accp_hbm, dis_hbm, sterm_hbm,
             ei_v, hist_v, acc_v, red_v, z_v, zdis_v, dis_v, sterm_v,
             ztab_v, hist_sh, zdis_sh, sem1, sem2, sem3, sem4):
    cid = lax.axis_index("c")
    sid = lax.axis_index("s")
    wid = sid * _NC + cid

    base_blk = _blk_start(2 * sid)
    cp_ei = pltpu.async_copy(
        ei_hbm.at[:, pl.ds(base_blk * 128, _BUFB * 128)], ei_v, sem1)
    cp_z = pltpu.async_copy(z_hbm.at[pl.ds(sid * _NPS, _NPS)], z_v, sem2)
    cp_hz = pltpu.async_copy(zeros_hbm, hist_v, sem3)
    cp_az = pltpu.async_copy(zeros_hbm, acc_v, sem4)

    n_hist = 156 + 2 * (sid >= 14).astype(jnp.int32)
    cp_ei.wait()
    cp_hz.wait()
    ones = jnp.ones((16,), jnp.float32)

    @plsc.parallel_loop(0, n_hist * 8, 1, unroll=4)
    def hbody(i):
        d = ei_v[1, pl.ds(i * 16, 16)]
        plsc.addupdate_scatter(hist_v, [d], ones)

    pltpu.sync_copy(hist_v, hist_sh.at[sid])
    plsc.subcore_barrier()
    pltpu.sync_copy(hist_sh.at[:, pl.ds(sid * _NPS, _NPS)], red_v)
    cp_z.wait()

    @plsc.parallel_loop(0, _NPS // 16, 1, unroll=2)
    def rbody(v):
        o = v * 16
        s = red_v[0, pl.ds(o, 16)]
        for j in range(1, _NS):
            s = s + red_v[j, pl.ds(o, 16)]
        deg = s + 1.0
        dis = _newton_rsqrt(deg)
        z16 = z_v[pl.ds(o, 16)]
        dis_v[pl.ds(o, 16)] = dis
        zdis_v[pl.ds(o, 16)] = z16 * dis
        sterm_v[pl.ds(o, 16)] = z16 / deg

    pltpu.sync_copy(zdis_v, zdis_sh.at[pl.ds(sid * _NPS, _NPS)])

    @pl.when(cid == 0)
    def _():
        pltpu.sync_copy(dis_v, dis_hbm.at[pl.ds(sid * _NPS, _NPS)])
        pltpu.sync_copy(sterm_v, sterm_hbm.at[pl.ds(sid * _NPS, _NPS)])

    plsc.subcore_barrier()
    pltpu.sync_copy(zdis_sh, ztab_v)

    cp_az.wait()
    my_off = jnp.where(cid == 0, 0, (_blk_start(2 * sid + 1) - base_blk)) * 128
    n_acc = 78 + (wid >= 28).astype(jnp.int32)

    @plsc.parallel_loop(0, n_acc * 8, 1, unroll=4)
    def abody(i):
        s = ei_v[0, pl.ds(my_off + i * 16, 16)]
        vals = plsc.load_gather(ztab_v, [s])
        d = ei_v[1, pl.ds(my_off + i * 16, 16)]
        plsc.addupdate_scatter(acc_v, [d], vals)
    pltpu.sync_copy(acc_v, accp_hbm.at[wid])


_NMAIN = (N_NODES // 128) * 128


def _tc_z_body(x_ref, w_ref, w2_ref, b_ref, b2_ref, z_ref, c_ref):
    wc = w_ref[...] @ w2_ref[...]
    xm = x_ref[0:_NMAIN, :].reshape(_NMAIN // 128, 128, IN_DIM)
    z_ref[0:_NMAIN // 128, :] = jax.lax.dot_general(
        xm, wc[:, 0],
        dimension_numbers=(((2,), (0,)), ((), ())),
    )
    xt = jnp.pad(
        x_ref[_NMAIN:N_NODES, :],
        ((0, (NROW - _NMAIN // 128) * 128 - (N_NODES - _NMAIN)), (0, 0)),
    ).reshape(NROW - _NMAIN // 128, 128, IN_DIM)
    z_ref[_NMAIN // 128:NROW, :] = jax.lax.dot_general(
        xt, wc[:, 0],
        dimension_numbers=(((2,), (0,)), ((), ())),
    )
    c = jnp.sum(b_ref[...] * w2_ref[...][:, 0]) + b2_ref[0]
    c_ref[...] = jnp.full((8, 128), c, jnp.float32)


def _tc_final_body(accp_ref, dis_ref, sterm_ref, c_ref, out_ref):
    acc = jnp.sum(accp_ref[...], axis=0)
    pre = dis_ref[...] * acc + sterm_ref[...] + c_ref[0, 0]
    out_ref[...] = jax.nn.sigmoid(pre)


_tc_z = pl.pallas_call(
    _tc_z_body,
    out_shape=[
        jax.ShapeDtypeStruct((NROW, 128), jnp.float32),
        jax.ShapeDtypeStruct((8, 128), jnp.float32),
    ],
)

_tc_final = pl.pallas_call(
    _tc_final_body,
    out_shape=jax.ShapeDtypeStruct((NPAD,), jnp.float32),
)


def kernel(x, edge_index, W, b, W2, b2):
    ei = edge_index.astype(jnp.int32)
    zeros = jnp.zeros((NPAD,), jnp.float32)

    z, cvec = _tc_z(x, W, W2, b, b2)
    accp, dis, sterm = _sc_main(ei, z.reshape(NPAD), zeros)
    score = _tc_final(accp, dis, sterm, cvec)
    return score[:N_NODES]

# --- scband reference (transcript-rebuilt; emitter-appended) ---
"""Pipeline reference for scband-association-score-3453153706626 (READ-ONLY COPY).

The authoritative reference and input builder live on the scoring server;
editing this copy changes nothing except your own understanding.
"""

import jax, jax.numpy as jnp
import numpy as np

N_NODES = 10000
N_EDGES = 320000
IN_DIM = 128
HIDDEN_DIM = 128


def setup_inputs(seed: int = 0) -> dict:
    key = jax.random.key(seed)
    k1, k2, k3, k4, k5, k6 = jax.random.split(key, 6)
    x = jax.random.normal(k1, (N_NODES, IN_DIM), dtype=jnp.float32)
    edge_index = jax.random.randint(k2, (2, N_EDGES), 0, N_NODES, dtype=jnp.int64)
    # GCNConv weights (glorot-ish init)
    W = jax.random.normal(k3, (IN_DIM, HIDDEN_DIM), dtype=jnp.float32) * (1.0 / np.sqrt(IN_DIM))
    b = jnp.zeros((HIDDEN_DIM,), dtype=jnp.float32)
    # MLP head: Linear(hidden_dim, 1) + Sigmoid
    W2 = jax.random.normal(k4, (HIDDEN_DIM, 1), dtype=jnp.float32) * (1.0 / np.sqrt(HIDDEN_DIM))
    b2 = jnp.zeros((1,), dtype=jnp.float32)
    return {"x": x, "edge_index": edge_index, "W": W, "b": b, "W2": W2, "b2": b2}


def reference(x, edge_index, W, b, W2, b2):
    N = x.shape[0]
    # --- GCNConv: add self-loops, symmetric normalization, message passing ---
    loop = jnp.arange(N, dtype=edge_index.dtype)
    src = jnp.concatenate([edge_index[0], loop])
    dst = jnp.concatenate([edge_index[1], loop])
    # linear transform first
    h = x @ W
    # degree on destination nodes (includes self-loops)
    deg = jnp.zeros((N,), dtype=x.dtype).at[dst].add(1.0)
    deg_inv_sqrt = jnp.where(deg > 0, 1.0 / jnp.sqrt(deg), 0.0)
    norm = deg_inv_sqrt[src] * deg_inv_sqrt[dst]
    # gather messages, scale, scatter-add
    msg = h[src] * norm[:, None]
    out = jnp.zeros((N, h.shape[1]), dtype=x.dtype).at[dst].add(msg)
    out = out + b
    # --- MLP head: Linear -> Sigmoid -> squeeze ---
    score = jax.nn.sigmoid(out @ W2 + b2)
    return score.squeeze(-1)

if __name__ == "__main__":
    import jax
    _d = setup_inputs()
    print(jax.jit(kernel)(*tuple(_d.values())))

</pallas_src>

<mosaic_0001>
#map = affine_map<(d0, d1) -> (0, 0)>
#map1 = affine_map<(d0, d1) -> (0)>
module attributes {stable_mosaic.version = 14 : i64} {
  func.func @_sc_main(%arg0: i32, %arg1: i32, %arg2: memref<2x320000xi32, #tpu.memory_space<hbm>>, %arg3: memref<10240xf32, #tpu.memory_space<hbm>>, %arg4: memref<10240xf32, #tpu.memory_space<hbm>>, %arg5: memref<32x10240xf32, #tpu.memory_space<hbm>>, %arg6: memref<10240xf32, #tpu.memory_space<hbm>>, %arg7: memref<10240xf32, #tpu.memory_space<hbm>>, %arg8: memref<2x20224xi32, #tpu.memory_space<vmem>>, %arg9: memref<10240xf32, #tpu.memory_space<vmem>>, %arg10: memref<10240xf32, #tpu.memory_space<vmem>>, %arg11: memref<16x640xf32, #tpu.memory_space<vmem>>, %arg12: memref<640xf32, #tpu.memory_space<vmem>>, %arg13: memref<640xf32, #tpu.memory_space<vmem>>, %arg14: memref<640xf32, #tpu.memory_space<vmem>>, %arg15: memref<640xf32, #tpu.memory_space<vmem>>, %arg16: memref<10240xf32, #tpu.memory_space<vmem>>, %arg17: memref<16x10240xf32, #tpu.memory_space<vmem_shared>>, %arg18: memref<10240xf32, #tpu.memory_space<vmem_shared>>, %arg19: memref<!tpu.dma_semaphore, #tpu.memory_space<semaphore_mem>>, %arg20: memref<!tpu.dma_semaphore, #tpu.memory_space<semaphore_mem>>, %arg21: memref<!tpu.dma_semaphore, #tpu.memory_space<semaphore_mem>>, %arg22: memref<!tpu.dma_semaphore, #tpu.memory_space<semaphore_mem>>) attributes {dimension_semantics = [#tpu.dimension_semantics<core_parallel>, #tpu.dimension_semantics<subcore_parallel>], iteration_bounds = array<i64: 2, 16>, scalar_prefetch = 0 : i64, scratch_operands = 15 : i64, tpu.core_type = #tpu.core_type<sc_vector_subcore>, window_params = [{transform_indices = #map}, {transform_indices = #map1}, {transform_indices = #map1}, {transform_indices = #map}, {transform_indices = #map1}, {transform_indices = #map1}]} {
    %mul3A = arith.constant 2 : i32
    %mul3A_0 = arith.muli %arg1, %mul3A : i32
    %add3A = arith.addi %mul3A_0, %arg0 : i32
    %mul3A_1 = arith.constant 2 : i32
    %mul3A_2 = arith.muli %mul3A_1, %arg1 : i32
    %mul3A_3 = arith.constant 78 : i32
    %mul3A_4 = arith.muli %mul3A_3, %mul3A_2 : i32
    %sub3A = arith.constant 28 : i32
    %sub3A_5 = arith.subi %mul3A_2, %sub3A : i32
    %max3A = arith.constant 0 : i32
    %max3A_6 = arith.maxsi %max3A, %sub3A_5 : i32
    %add3A_7 = arith.addi %mul3A_4, %max3A_6 : i32
    %mul3A_8 = arith.constant 128 : i32
    %mul3A_9 = arith.muli %add3A_7, %mul3A_8 : i32
    %dma_start3A = arith.constant 0 : i32
    %dma_start3A_10 = tpu.memref_slice %arg2[%dma_start3A, %mul3A_9] : memref<2x320000xi32, #tpu.memory_space<hbm>> -> memref<2x20224xi32, #tpu.memory_space<hbm>>
    %dma_start3A_11 = arith.constant 0 : i32
    %dma_start3A_12 = tpu.memref_slice %arg2[%dma_start3A_11, %mul3A_9] : memref<2x320000xi32, #tpu.memory_space<hbm>> -> memref<2x20224xi32, #tpu.memory_space<hbm>>
    tpu.enqueue_dma source(%dma_start3A_12 : memref<2x20224xi32, #tpu.memory_space<hbm>>) target(%arg8 : memref<2x20224xi32, #tpu.memory_space<vmem>>) target_semaphore(%arg19 : memref<!tpu.dma_semaphore, #tpu.memory_space<semaphore_mem>>)
    %mul3A_13 = arith.constant 640 : i32
    %mul3A_14 = arith.muli %arg1, %mul3A_13 : i32
    %dma_start3A_15 = tpu.memref_slice %arg3[%mul3A_14] : memref<10240xf32, #tpu.memory_space<hbm>> -> memref<640xf32, #tpu.memory_space<hbm>>
    %dma_start3A_16 = tpu.memref_slice %arg3[%mul3A_14] : memref<10240xf32, #tpu.memory_space<hbm>> -> memref<640xf32, #tpu.memory_space<hbm>>
    tpu.enqueue_dma source(%dma_start3A_16 : memref<640xf32, #tpu.memory_space<hbm>>) target(%arg12 : memref<640xf32, #tpu.memory_space<vmem>>) target_semaphore(%arg20 : memref<!tpu.dma_semaphore, #tpu.memory_space<semaphore_mem>>)
    tpu.enqueue_dma source(%arg4 : memref<10240xf32, #tpu.memory_space<hbm>>) target(%arg9 : memref<10240xf32, #tpu.memory_space<vmem>>) target_semaphore(%arg21 : memref<!tpu.dma_semaphore, #tpu.memory_space<semaphore_mem>>)
    tpu.enqueue_dma source(%arg4 : memref<10240xf32, #tpu.memory_space<hbm>>) target(%arg10 : memref<10240xf32, #tpu.memory_space<vmem>>) target_semaphore(%arg22 : memref<!tpu.dma_semaphore, #tpu.memory_space<semaphore_mem>>)
    %ge3A = arith.constant 14 : i32
    %ge3A_17 = arith.cmpi sge, %arg1, %ge3A : i32
    %convert_element_type3A = arith.extui %ge3A_17 : i1 to i32
    %mul3A_18 = arith.constant 2 : i32
    %mul3A_19 = arith.muli %mul3A_18, %convert_element_type3A : i32
    %add3A_20 = arith.constant 156 : i32
    %add3A_21 = arith.addi %add3A_20, %mul3A_19 : i32
    %dma_wait3A = arith.constant 0 : i32
    %dma_wait3A_22 = tpu.memref_slice %arg2[%dma_wait3A, %mul3A_9] : memref<2x320000xi32, #tpu.memory_space<hbm>> -> memref<2x20224xi32, #tpu.memory_space<hbm>>
    %dma_wait3A_23 = arith.constant 0 : i32
    %dma_wait3A_24 = tpu.memref_slice %arg2[%dma_wait3A_23, %mul3A_9] : memref<2x320000xi32, #tpu.memory_space<hbm>> -> memref<2x20224xi32, #tpu.memory_space<hbm>>
    tpu.wait_dma2 semaphore(%arg19 : memref<!tpu.dma_semaphore, #tpu.memory_space<semaphore_mem>>) src(%dma_wait3A_24 : memref<2x20224xi32, #tpu.memory_space<hbm>>) dst(%arg8 : memref<2x20224xi32, #tpu.memory_space<vmem>>)
    tpu.wait_dma2 semaphore(%arg21 : memref<!tpu.dma_semaphore, #tpu.memory_space<semaphore_mem>>) src(%arg4 : memref<10240xf32, #tpu.memory_space<hbm>>) dst(%arg9 : memref<10240xf32, #tpu.memory_space<vmem>>)
    %broadcast_in_dim3A = arith.constant 1.000000e+00 : f32
    %broadcast_in_dim3A_25 = vector.broadcast %broadcast_in_dim3A : f32 to vector<16xf32>
    %mul3A_26 = arith.constant 8 : i32
    %mul3A_27 = arith.muli %add3A_21, %mul3A_26 : i32
    %parallel_loop3A = arith.constant 0 : i32
    %parallel_loop3A_28 = arith.constant 1 : i32
    scf.for %parallel_loop3A_67 = %parallel_loop3A to %mul3A_27 step %parallel_loop3A_28  : i32 {
      %parallel_loop3A_68 = arith.constant 16 : i32
      %parallel_loop3A_69 = arith.muli %parallel_loop3A_67, %parallel_loop3A_68 : i32
      %parallel_loop3A_70 = arith.constant 1 : i32
      %parallel_loop3A_71 = arith.index_cast %parallel_loop3A_70 : i32 to index
      %parallel_loop3A_72 = arith.index_cast %parallel_loop3A_69 : i32 to index
      %parallel_loop3A_73 = tpu.vector_load %arg8[%parallel_loop3A_71, %parallel_loop3A_72] {strides = array<i32>} : memref<2x20224xi32, #tpu.memory_space<vmem>>, vector<16xi32>,
      tpu.vector_store_idx %arg9[%parallel_loop3A_73], %broadcast_in_dim3A_25 {add = true} : memref<10240xf32, #tpu.memory_space<vmem>>[vector<16xi32>], vector<16xf32>,
    } {sc.loop_unroll_factor = 4 : i64, sc.parallel_access}
    "tpu.region"() ({
      %run_scoped3A = tpu.sem_alloc : memref<!tpu.dma_semaphore, #tpu.memory_space<semaphore_mem>>
      %dma_start3A_67 = arith.constant 0 : i32
      %dma_start3A_68 = tpu.memref_slice %arg17[%arg1, %dma_start3A_67] : memref<16x10240xf32, #tpu.memory_space<vmem_shared>> -> memref<1x10240xf32, #tpu.memory_space<vmem_shared>>
      %dma_start3A_69 = tpu.memref_squeeze %dma_start3A_68 : memref<1x10240xf32, #tpu.memory_space<vmem_shared>> -> memref<10240xf32, #tpu.memory_space<vmem_shared>>
      %dma_start3A_70 = arith.constant 0 : i32
      %dma_start3A_71 = tpu.memref_slice %arg17[%arg1, %dma_start3A_70] : memref<16x10240xf32, #tpu.memory_space<vmem_shared>> -> memref<1x10240xf32, #tpu.memory_space<vmem_shared>>
      %dma_start3A_72 = tpu.memref_squeeze %dma_start3A_71 : memref<1x10240xf32, #tpu.memory_space<vmem_shared>> -> memref<10240xf32, #tpu.memory_space<vmem_shared>>
      tpu.enqueue_dma source(%arg9 : memref<10240xf32, #tpu.memory_space<vmem>>) target(%dma_start3A_72 : memref<10240xf32, #tpu.memory_space<vmem_shared>>) target_semaphore(%run_scoped3A : memref<!tpu.dma_semaphore, #tpu.memory_space<semaphore_mem>>)
      %dma_wait3A_73 = arith.constant 0 : i32
      %dma_wait3A_74 = tpu.memref_slice %arg17[%arg1, %dma_wait3A_73] : memref<16x10240xf32, #tpu.memory_space<vmem_shared>> -> memref<1x10240xf32, #tpu.memory_space<vmem_shared>>
      %dma_wait3A_75 = tpu.memref_squeeze %dma_wait3A_74 : memref<1x10240xf32, #tpu.memory_space<vmem_shared>> -> memref<10240xf32, #tpu.memory_space<vmem_shared>>
      %dma_wait3A_76 = arith.constant 0 : i32
      %dma_wait3A_77 = tpu.memref_slice %arg17[%arg1, %dma_wait3A_76] : memref<16x10240xf32, #tpu.memory_space<vmem_shared>> -> memref<1x10240xf32, #tpu.memory_space<vmem_shared>>
      %dma_wait3A_78 = tpu.memref_squeeze %dma_wait3A_77 : memref<1x10240xf32, #tpu.memory_space<vmem_shared>> -> memref<10240xf32, #tpu.memory_space<vmem_shared>>
      tpu.wait_dma2 semaphore(%run_scoped3A : memref<!tpu.dma_semaphore, #tpu.memory_space<semaphore_mem>>) src(%arg9 : memref<10240xf32, #tpu.memory_space<vmem>>) dst(%dma_wait3A_78 : memref<10240xf32, #tpu.memory_space<vmem_shared>>)
      tpu.yield
    }) : () -> ()
    %barrier3A = arith.constant 0 : index
    tpu.barrier barrier_id(%barrier3A)
    %mul3A_29 = arith.constant 640 : i32
    %mul3A_30 = arith.muli %arg1, %mul3A_29 : i32
    "tpu.region"() ({
      %run_scoped3A = tpu.sem_alloc : memref<!tpu.dma_semaphore, #tpu.memory_space<semaphore_mem>>
      %dma_start3A_67 = arith.constant 0 : i32
      %dma_start3A_68 = tpu.memref_slice %arg17[%dma_start3A_67, %mul3A_30] : memref<16x10240xf32, #tpu.memory_space<vmem_shared>> -> memref<16x640xf32, #tpu.memory_space<vmem_shared>>
      %dma_start3A_69 = arith.constant 0 : i32
      %dma_start3A_70 = tpu.memref_slice %arg17[%dma_start3A_69, %mul3A_30] : memref<16x10240xf32, #tpu.memory_space<vmem_shared>> -> memref<16x640xf32, #tpu.memory_space<vmem_shared>>
      tpu.enqueue_dma source(%dma_start3A_70 : memref<16x640xf32, #tpu.memory_space<vmem_shared>>) target(%arg11 : memref<16x640xf32, #tpu.memory_space<vmem>>) target_semaphore(%run_scoped3A : memref<!tpu.dma_semaphore, #tpu.memory_space<semaphore_mem>>)
      %dma_wait3A_71 = arith.constant 0 : i32
      %dma_wait3A_72 = tpu.memref_slice %arg17[%dma_wait3A_71, %mul3A_30] : memref<16x10240xf32, #tpu.memory_space<vmem_shared>> -> memref<16x640xf32, #tpu.memory_space<vmem_shared>>
      %dma_wait3A_73 = arith.constant 0 : i32
      %dma_wait3A_74 = tpu.memref_slice %arg17[%dma_wait3A_73, %mul3A_30] : memref<16x10240xf32, #tpu.memory_space<vmem_shared>> -> memref<16x640xf32, #tpu.memory_space<vmem_shared>>
      tpu.wait_dma2 semaphore(%run_scoped3A : memref<!tpu.dma_semaphore, #tpu.memory_space<semaphore_mem>>) src(%dma_wait3A_74 : memref<16x640xf32, #tpu.memory_space<vmem_shared>>) dst(%arg11 : memref<16x640xf32, #tpu.memory_space<vmem>>)
      tpu.yield
    }) : () -> ()
    %dma_wait3A_31 = tpu.memref_slice %arg3[%mul3A_14] : memref<10240xf32, #tpu.memory_space<hbm>> -> memref<640xf32, #tpu.memory_space<hbm>>
    %dma_wait3A_32 = tpu.memref_slice %arg3[%mul3A_14] : memref<10240xf32, #tpu.memory_space<hbm>> -> memref<640xf32, #tpu.memory_space<hbm>>
    tpu.wait_dma2 semaphore(%arg20 : memref<!tpu.dma_semaphore, #tpu.memory_space<semaphore_mem>>) src(%dma_wait3A_32 : memref<640xf32, #tpu.memory_space<hbm>>) dst(%arg12 : memref<640xf32, #tpu.memory_space<vmem>>)
    %parallel_loop3A_33 = arith.constant 0 : i32
    %parallel_loop3A_34 = arith.constant 40 : i32
    %parallel_loop3A_35 = arith.constant 1 : i32
    scf.for %parallel_loop3A_67 = %parallel_loop3A_33 to %parallel_loop3A_34 step %parallel_loop3A_35  : i32 {
      %parallel_loop3A_68 = arith.constant 16 : i32
      %parallel_loop3A_69 = arith.muli %parallel_loop3A_67, %parallel_loop3A_68 : i32
      %parallel_loop3A_70 = arith.constant 0 : i32
      %parallel_loop3A_71 = arith.index_cast %parallel_loop3A_70 : i32 to index
      %parallel_loop3A_72 = arith.index_cast %parallel_loop3A_69 : i32 to index
      %parallel_loop3A_73 = tpu.vector_load %arg11[%parallel_loop3A_71, %parallel_loop3A_72] {strides = array<i32>} : memref<16x640xf32, #tpu.memory_space<vmem>>, vector<16xf32>,
      %parallel_loop3A_74 = arith.constant 1 : i32
      %parallel_loop3A_75 = arith.index_cast %parallel_loop3A_74 : i32 to index
      %parallel_loop3A_76 = arith.index_cast %parallel_loop3A_69 : i32 to index
      %parallel_loop3A_77 = tpu.vector_load %arg11[%parallel_loop3A_75, %parallel_loop3A_76] {strides = array<i32>} : memref<16x640xf32, #tpu.memory_space<vmem>>, vector<16xf32>,
      %parallel_loop3A_78 = arith.addf %parallel_loop3A_73, %parallel_loop3A_77 : vector<16xf32>
      %parallel_loop3A_79 = arith.constant 2 : i32
      %parallel_loop3A_80 = arith.index_cast %parallel_loop3A_79 : i32 to index
      %parallel_loop3A_81 = arith.index_cast %parallel_loop3A_69 : i32 to index
      %parallel_loop3A_82 = tpu.vector_load %arg11[%parallel_loop3A_80, %parallel_loop3A_81] {strides = array<i32>} : memref<16x640xf32, #tpu.memory_space<vmem>>, vector<16xf32>,
      %parallel_loop3A_83 = arith.addf %parallel_loop3A_78, %parallel_loop3A_82 : vector<16xf32>
      %parallel_loop3A_84 = arith.constant 3 : i32
      %parallel_loop3A_85 = arith.index_cast %parallel_loop3A_84 : i32 to index
      %parallel_loop3A_86 = arith.index_cast %parallel_loop3A_69 : i32 to index
      %parallel_loop3A_87 = tpu.vector_load %arg11[%parallel_loop3A_85, %parallel_loop3A_86] {strides = array<i32>} : memref<16x640xf32, #tpu.memory_space<vmem>>, vector<16xf32>,
      %parallel_loop3A_88 = arith.addf %parallel_loop3A_83, %parallel_loop3A_87 : vector<16xf32>
      %parallel_loop3A_89 = arith.constant 4 : i32
      %parallel_loop3A_90 = arith.index_cast %parallel_loop3A_89 : i32 to index
      %parallel_loop3A_91 = arith.index_cast %parallel_loop3A_69 : i32 to index
      %parallel_loop3A_92 = tpu.vector_load %arg11[%parallel_loop3A_90, %parallel_loop3A_91] {strides = array<i32>} : memref<16x640xf32, #tpu.memory_space<vmem>>, vector<16xf32>,
      %parallel_loop3A_93 = arith.addf %parallel_loop3A_88, %parallel_loop3A_92 : vector<16xf32>
      %parallel_loop3A_94 = arith.constant 5 : i32
      %parallel_loop3A_95 = arith.index_cast %parallel_loop3A_94 : i32 to index
      %parallel_loop3A_96 = arith.index_cast %parallel_loop3A_69 : i32 to index
      %parallel_loop3A_97 = tpu.vector_load %arg11[%parallel_loop3A_95, %parallel_loop3A_96] {strides = array<i32>} : memref<16x640xf32, #tpu.memory_space<vmem>>, vector<16xf32>,
      %parallel_loop3A_98 = arith.addf %parallel_loop3A_93, %parallel_loop3A_97 : vector<16xf32>
      %parallel_loop3A_99 = arith.constant 6 : i32
      %parallel_loop3A_100 = arith.index_cast %parallel_loop3A_99 : i32 to index
      %parallel_loop3A_101 = arith.index_cast %parallel_loop3A_69 : i32 to index
      %parallel_loop3A_102 = tpu.vector_load %arg11[%parallel_loop3A_100, %parallel_loop3A_101] {strides = array<i32>} : memref<16x640xf32, #tpu.memory_space<vmem>>, vector<16xf32>,
      %parallel_loop3A_103 = arith.addf %parallel_loop3A_98, %parallel_loop3A_102 : vector<16xf32>
      %parallel_loop3A_104 = arith.constant 7 : i32
      %parallel_loop3A_105 = arith.index_cast %parallel_loop3A_104 : i32 to index
      %parallel_loop3A_106 = arith.index_cast %parallel_loop3A_69 : i32 to index
      %parallel_loop3A_107 = tpu.vector_load %arg11[%parallel_loop3A_105, %parallel_loop3A_106] {strides = array<i32>} : memref<16x640xf32, #tpu.memory_space<vmem>>, vector<16xf32>,
      %parallel_loop3A_108 = arith.addf %parallel_loop3A_103, %parallel_loop3A_107 : vector<16xf32>
      %parallel_loop3A_109 = arith.constant 8 : i32
      %parallel_loop3A_110 = arith.index_cast %parallel_loop3A_109 : i32 to index
      %parallel_loop3A_111 = arith.index_cast %parallel_loop3A_69 : i32 to index
      %parallel_loop3A_112 = tpu.vector_load %arg11[%parallel_loop3A_110, %parallel_loop3A_111] {strides = array<i32>} : memref<16x640xf32, #tpu.memory_space<vmem>>, vector<16xf32>,
      %parallel_loop3A_113 = arith.addf %parallel_loop3A_108, %parallel_loop3A_112 : vector<16xf32>
      %parallel_loop3A_114 = arith.constant 9 : i32
      %parallel_loop3A_115 = arith.index_cast %parallel_loop3A_114 : i32 to index
      %parallel_loop3A_116 = arith.index_cast %parallel_loop3A_69 : i32 to index
      %parallel_loop3A_117 = tpu.vector_load %arg11[%parallel_loop3A_115, %parallel_loop3A_116] {strides = array<i32>} : memref<16x640xf32, #tpu.memory_space<vmem>>, vector<16xf32>,
      %parallel_loop3A_118 = arith.addf %parallel_loop3A_113, %parallel_loop3A_117 : vector<16xf32>
      %parallel_loop3A_119 = arith.constant 10 : i32
      %parallel_loop3A_120 = arith.index_cast %parallel_loop3A_119 : i32 to index
      %parallel_loop3A_121 = arith.index_cast %parallel_loop3A_69 : i32 to index
      %parallel_loop3A_122 = tpu.vector_load %arg11[%parallel_loop3A_120, %parallel_loop3A_121] {strides = array<i32>} : memref<16x640xf32, #tpu.memory_space<vmem>>, vector<16xf32>,
      %parallel_loop3A_123 = arith.addf %parallel_loop3A_118, %parallel_loop3A_122 : vector<16xf32>
      %parallel_loop3A_124 = arith.constant 11 : i32
      %parallel_loop3A_125 = arith.index_cast %parallel_loop3A_124 : i32 to index
      %parallel_loop3A_126 = arith.index_cast %parallel_loop3A_69 : i32 to index
      %parallel_loop3A_127 = tpu.vector_load %arg11[%parallel_loop3A_125, %parallel_loop3A_126] {strides = array<i32>} : memref<16x640xf32, #tpu.memory_space<vmem>>, vector<16xf32>,
      %parallel_loop3A_128 = arith.addf %parallel_loop3A_123, %parallel_loop3A_127 : vector<16xf32>
      %parallel_loop3A_129 = arith.constant 12 : i32
      %parallel_loop3A_130 = arith.index_cast %parallel_loop3A_129 : i32 to index
      %parallel_loop3A_131 = arith.index_cast %parallel_loop3A_69 : i32 to index
      %parallel_loop3A_132 = tpu.vector_load %arg11[%parallel_loop3A_130, %parallel_loop3A_131] {strides = array<i32>} : memref<16x640xf32, #tpu.memory_space<vmem>>, vector<16xf32>,
      %parallel_loop3A_133 = arith.addf %parallel_loop3A_128, %parallel_loop3A_132 : vector<16xf32>
      %parallel_loop3A_134 = arith.constant 13 : i32
      %parallel_loop3A_135 = arith.index_cast %parallel_loop3A_134 : i32 to index
      %parallel_loop3A_136 = arith.index_cast %parallel_loop3A_69 : i32 to index
      %parallel_loop3A_137 = tpu.vector_load %arg11[%parallel_loop3A_135, %parallel_loop3A_136] {strides = array<i32>} : memref<16x640xf32, #tpu.memory_space<vmem>>, vector<16xf32>,
      %parallel_loop3A_138 = arith.addf %parallel_loop3A_133, %parallel_loop3A_137 : vector<16xf32>
      %parallel_loop3A_139 = arith.constant 14 : i32
      %parallel_loop3A_140 = arith.index_cast %parallel_loop3A_139 : i32 to index
      %parallel_loop3A_141 = arith.index_cast %parallel_loop3A_69 : i32 to index
      %parallel_loop3A_142 = tpu.vector_load %arg11[%parallel_loop3A_140, %parallel_loop3A_141] {strides = array<i32>} : memref<16x640xf32, #tpu.memory_space<vmem>>, vector<16xf32>,
      %parallel_loop3A_143 = arith.addf %parallel_loop3A_138, %parallel_loop3A_142 : vector<16xf32>
      %parallel_loop3A_144 = arith.constant 15 : i32
      %parallel_loop3A_145 = arith.index_cast %parallel_loop3A_144 : i32 to index
      %parallel_loop3A_146 = arith.index_cast %parallel_loop3A_69 : i32 to index
      %parallel_loop3A_147 = tpu.vector_load %arg11[%parallel_loop3A_145, %parallel_loop3A_146] {strides = array<i32>} : memref<16x640xf32, #tpu.memory_space<vmem>>, vector<16xf32>,
      %parallel_loop3A_148 = arith.addf %parallel_loop3A_143, %parallel_loop3A_147 : vector<16xf32>
      %parallel_loop3A_149 = arith.constant 1.000000e+00 : f32
      %parallel_loop3A_150 = vector.broadcast %parallel_loop3A_149 : f32 to vector<16xf32>
      %parallel_loop3A_151 = arith.addf %parallel_loop3A_148, %parallel_loop3A_150 : vector<16xf32>
      %parallel_loop3A_152 = vector.bitcast %parallel_loop3A_151 : vector<16xf32> to vector<16xi32>
      %parallel_loop3A_153 = arith.constant 1 : i32
      %parallel_loop3A_154 = vector.broadcast %parallel_loop3A_153 : i32 to vector<16xi32>
      %parallel_loop3A_155 = arith.shrsi %parallel_loop3A_152, %parallel_loop3A_154 : vector<16xi32>
      %parallel_loop3A_156 = arith.constant 1597463007 : i32
      %parallel_loop3A_157 = vector.broadcast %parallel_loop3A_156 : i32 to vector<16xi32>
      %parallel_loop3A_158 = arith.subi %parallel_loop3A_157, %parallel_loop3A_155 : vector<16xi32>
      %parallel_loop3A_159 = vector.bitcast %parallel_loop3A_158 : vector<16xi32> to vector<16xf32>
      %parallel_loop3A_160 = arith.constant 5.000000e-01 : f32
      %parallel_loop3A_161 = vector.broadcast %parallel_loop3A_160 : f32 to vector<16xf32>
      %parallel_loop3A_162 = arith.mulf %parallel_loop3A_151, %parallel_loop3A_161 : vector<16xf32>
      %parallel_loop3A_163 = arith.mulf %parallel_loop3A_162, %parallel_loop3A_159 : vector<16xf32>
      %parallel_loop3A_164 = arith.mulf %parallel_loop3A_163, %parallel_loop3A_159 : vector<16xf32>
      %parallel_loop3A_165 = arith.constant 1.500000e+00 : f32
      %parallel_loop3A_166 = vector.broadcast %parallel_loop3A_165 : f32 to vector<16xf32>
      %parallel_loop3A_167 = arith.subf %parallel_loop3A_166, %parallel_loop3A_164 : vector<16xf32>
      %parallel_loop3A_168 = arith.mulf %parallel_loop3A_159, %parallel_loop3A_167 : vector<16xf32>
      %parallel_loop3A_169 = arith.mulf %parallel_loop3A_162, %parallel_loop3A_168 : vector<16xf32>
      %parallel_loop3A_170 = arith.mulf %parallel_loop3A_169, %parallel_loop3A_168 : vector<16xf32>
      %parallel_loop3A_171 = arith.constant 1.500000e+00 : f32
      %parallel_loop3A_172 = vector.broadcast %parallel_loop3A_171 : f32 to vector<16xf32>
      %parallel_loop3A_173 = arith.subf %parallel_loop3A_172, %parallel_loop3A_170 : vector<16xf32>
      %parallel_loop3A_174 = arith.mulf %parallel_loop3A_168, %parallel_loop3A_173 : vector<16xf32>
      %parallel_loop3A_175 = arith.mulf %parallel_loop3A_162, %parallel_loop3A_174 : vector<16xf32>
      %parallel_loop3A_176 = arith.mulf %parallel_loop3A_175, %parallel_loop3A_174 : vector<16xf32>
      %parallel_loop3A_177 = arith.constant 1.500000e+00 : f32
      %parallel_loop3A_178 = vector.broadcast %parallel_loop3A_177 : f32 to vector<16xf32>
      %parallel_loop3A_179 = arith.subf %parallel_loop3A_178, %parallel_loop3A_176 : vector<16xf32>
      %parallel_loop3A_180 = arith.mulf %parallel_loop3A_174, %parallel_loop3A_179 : vector<16xf32>
      %parallel_loop3A_181 = arith.index_cast %parallel_loop3A_69 : i32 to index
      %parallel_loop3A_182 = tpu.vector_load %arg12[%parallel_loop3A_181] {strides = array<i32>} : memref<640xf32, #tpu.memory_space<vmem>>, vector<16xf32>,
      %parallel_loop3A_183 = arith.index_cast %parallel_loop3A_69 : i32 to index
      %parallel_loop3A_184 = tpu.vector_load %arg14[%parallel_loop3A_183] {strides = array<i32>} : memref<640xf32, #tpu.memory_space<vmem>>, vector<16xf32>,
      tpu.vector_store %arg14[%parallel_loop3A_183], %parallel_loop3A_180 {strides = array<i32>} : memref<640xf32, #tpu.memory_space<vmem>>, vector<16xf32>,
      %parallel_loop3A_185 = arith.mulf %parallel_loop3A_182, %parallel_loop3A_180 : vector<16xf32>
      %parallel_loop3A_186 = arith.index_cast %parallel_loop3A_69 : i32 to index
      %parallel_loop3A_187 = tpu.vector_load %arg13[%parallel_loop3A_186] {strides = array<i32>} : memref<640xf32, #tpu.memory_space<vmem>>, vector<16xf32>,
      tpu.vector_store %arg13[%parallel_loop3A_186], %parallel_loop3A_185 {strides = array<i32>} : memref<640xf32, #tpu.memory_space<vmem>>, vector<16xf32>,
      %parallel_loop3A_188 = arith.divf %parallel_loop3A_182, %parallel_loop3A_151 : vector<16xf32>
      %parallel_loop3A_189 = arith.index_cast %parallel_loop3A_69 : i32 to index
      %parallel_loop3A_190 = tpu.vector_load %arg15[%parallel_loop3A_189] {strides = array<i32>} : memref<640xf32, #tpu.memory_space<vmem>>, vector<16xf32>,
      tpu.vector_store %arg15[%parallel_loop3A_189], %parallel_loop3A_188 {strides = array<i32>} : memref<640xf32, #tpu.memory_space<vmem>>, vector<16xf32>,
    } {sc.loop_unroll_factor = 2 : i64, sc.parallel_access}
    %mul3A_36 = arith.constant 640 : i32
    %mul3A_37 = arith.muli %arg1, %mul3A_36 : i32
    "tpu.region"() ({
      %run_scoped3A = tpu.sem_alloc : memref<!tpu.dma_semaphore, #tpu.memory_space<semaphore_mem>>
      %dma_start3A_67 = tpu.memref_slice %arg18[%mul3A_37] : memref<10240xf32, #tpu.memory_space<vmem_shared>> -> memref<640xf32, #tpu.memory_space<vmem_shared>>
      %dma_start3A_68 = tpu.memref_slice %arg18[%mul3A_37] : memref<10240xf32, #tpu.memory_space<vmem_shared>> -> memref<640xf32, #tpu.memory_space<vmem_shared>>
      tpu.enqueue_dma source(%arg13 : memref<640xf32, #tpu.memory_space<vmem>>) target(%dma_start3A_68 : memref<640xf32, #tpu.memory_space<vmem_shared>>) target_semaphore(%run_scoped3A : memref<!tpu.dma_semaphore, #tpu.memory_space<semaphore_mem>>)
      %dma_wait3A_69 = tpu.memref_slice %arg18[%mul3A_37] : memref<10240xf32, #tpu.memory_space<vmem_shared>> -> memref<640xf32, #tpu.memory_space<vmem_shared>>
      %dma_wait3A_70 = tpu.memref_slice %arg18[%mul3A_37] : memref<10240xf32, #tpu.memory_space<vmem_shared>> -> memref<640xf32, #tpu.memory_space<vmem_shared>>
      tpu.wait_dma2 semaphore(%run_scoped3A : memref<!tpu.dma_semaphore, #tpu.memory_space<semaphore_mem>>) src(%arg13 : memref<640xf32, #tpu.memory_space<vmem>>) dst(%dma_wait3A_70 : memref<640xf32, #tpu.memory_space<vmem_shared>>)
      tpu.yield
    }) : () -> ()
    %eq3A = arith.constant 0 : i32
    %eq3A_38 = arith.cmpi eq, %arg0, %eq3A : i32
    %convert_element_type3A_39 = arith.extui %eq3A_38 : i1 to i32
    %cond3A = arith.constant 0 : i32
    %cond3A_40 = arith.cmpi ne, %convert_element_type3A_39, %cond3A : i32
    scf.if %cond3A_40 {
      %mul3A_67 = arith.constant 640 : i32
      %mul3A_68 = arith.muli %arg1, %mul3A_67 : i32
      "tpu.region"() ({
        %run_scoped3A = tpu.sem_alloc : memref<!tpu.dma_semaphore, #tpu.memory_space<semaphore_mem>>
        %dma_start3A_71 = tpu.memref_slice %arg6[%mul3A_68] : memref<10240xf32, #tpu.memory_space<hbm>> -> memref<640xf32, #tpu.memory_space<hbm>>
        %dma_start3A_72 = tpu.memref_slice %arg6[%mul3A_68] : memref<10240xf32, #tpu.memory_space<hbm>> -> memref<640xf32, #tpu.memory_space<hbm>>
        tpu.enqueue_dma source(%arg14 : memref<640xf32, #tpu.memory_space<vmem>>) target(%dma_start3A_72 : memref<640xf32, #tpu.memory_space<hbm>>) target_semaphore(%run_scoped3A : memref<!tpu.dma_semaphore, #tpu.memory_space<semaphore_mem>>)
        %dma_wait3A_73 = tpu.memref_slice %arg6[%mul3A_68] : memref<10240xf32, #tpu.memory_space<hbm>> -> memref<640xf32, #tpu.memory_space<hbm>>
        %dma_wait3A_74 = tpu.memref_slice %arg6[%mul3A_68] : memref<10240xf32, #tpu.memory_space<hbm>> -> memref<640xf32, #tpu.memory_space<hbm>>
        tpu.wait_dma2 semaphore(%run_scoped3A : memref<!tpu.dma_semaphore, #tpu.memory_space<semaphore_mem>>) src(%arg14 : memref<640xf32, #tpu.memory_space<vmem>>) dst(%dma_wait3A_74 : memref<640xf32, #tpu.memory_space<hbm>>)
        tpu.yield
      }) : () -> ()
      %mul3A_69 = arith.constant 640 : i32
      %mul3A_70 = arith.muli %arg1, %mul3A_69 : i32
      "tpu.region"() ({
        %run_scoped3A = tpu.sem_alloc : memref<!tpu.dma_semaphore, #tpu.memory_space<semaphore_mem>>
        %dma_start3A_71 = tpu.memref_slice %arg7[%mul3A_70] : memref<10240xf32, #tpu.memory_space<hbm>> -> memref<640xf32, #tpu.memory_space<hbm>>
        %dma_start3A_72 = tpu.memref_slice %arg7[%mul3A_70] : memref<10240xf32, #tpu.memory_space<hbm>> -> memref<640xf32, #tpu.memory_space<hbm>>
        tpu.enqueue_dma source(%arg15 : memref<640xf32, #tpu.memory_space<vmem>>) target(%dma_start3A_72 : memref<640xf32, #tpu.memory_space<hbm>>) target_semaphore(%run_scoped3A : memref<!tpu.dma_semaphore, #tpu.memory_space<semaphore_mem>>)
        %dma_wait3A_73 = tpu.memref_slice %arg7[%mul3A_70] : memref<10240xf32, #tpu.memory_space<hbm>> -> memref<640xf32, #tpu.memory_space<hbm>>
        %dma_wait3A_74 = tpu.memref_slice %arg7[%mul3A_70] : memref<10240xf32, #tpu.memory_space<hbm>> -> memref<640xf32, #tpu.memory_space<hbm>>
        tpu.wait_dma2 semaphore(%run_scoped3A : memref<!tpu.dma_semaphore, #tpu.memory_space<semaphore_mem>>) src(%arg15 : memref<640xf32, #tpu.memory_space<vmem>>) dst(%dma_wait3A_74 : memref<640xf32, #tpu.memory_space<hbm>>)
        tpu.yield
      }) : () -> ()
    } else {
    }
    %barrier3A_41 = arith.constant 0 : index
    tpu.barrier barrier_id(%barrier3A_41)
    "tpu.region"() ({
      %run_scoped3A = tpu.sem_alloc : memref<!tpu.dma_semaphore, #tpu.memory_space<semaphore_mem>>
      tpu.enqueue_dma source(%arg18 : memref<10240xf32, #tpu.memory_space<vmem_shared>>) target(%arg16 : memref<10240xf32, #tpu.memory_space<vmem>>) target_semaphore(%run_scoped3A : memref<!tpu.dma_semaphore, #tpu.memory_space<semaphore_mem>>)
      tpu.wait_dma2 semaphore(%run_scoped3A : memref<!tpu.dma_semaphore, #tpu.memory_space<semaphore_mem>>) src(%arg18 : memref<10240xf32, #tpu.memory_space<vmem_shared>>) dst(%arg16 : memref<10240xf32, #tpu.memory_space<vmem>>)
      tpu.yield
    }) : () -> ()
    tpu.wait_dma2 semaphore(%arg22 : memref<!tpu.dma_semaphore, #tpu.memory_space<semaphore_mem>>) src(%arg4 : memref<10240xf32, #tpu.memory_space<hbm>>) dst(%arg10 : memref<10240xf32, #tpu.memory_space<vmem>>)
    %eq3A_42 = arith.constant 0 : i32
    %eq3A_43 = arith.cmpi eq, %arg0, %eq3A_42 : i32
    %mul3A_44 = arith.constant 2 : i32
    %mul3A_45 = arith.muli %mul3A_44, %arg1 : i32
    %add3A_46 = arith.constant 1 : i32
    %add3A_47 = arith.addi %mul3A_45, %add3A_46 : i32
    %mul3A_48 = arith.constant 78 : i32
    %mul3A_49 = arith.muli %mul3A_48, %add3A_47 : i32
    %sub3A_50 = arith.constant 28 : i32
    %sub3A_51 = arith.subi %add3A_47, %sub3A_50 : i32
    %max3A_52 = arith.constant 0 : i32
    %max3A_53 = arith.maxsi %max3A_52, %sub3A_51 : i32
    %add3A_54 = arith.addi %mul3A_49, %max3A_53 : i32
    %sub3A_55 = arith.subi %add3A_54, %add3A_7 : i32
    %jit3A = arith.constant 0 : i32
    %select_n3A = arith.select %eq3A_43, %jit3A, %sub3A_55 : i32
    %mul3A_56 = arith.constant 128 : i32
    %mul3A_57 = arith.muli %select_n3A, %mul3A_56 : i32
    %ge3A_58 = arith.constant 28 : i32
    %ge3A_59 = arith.cmpi sge, %add3A, %ge3A_58 : i32
    %convert_element_type3A_60 = arith.extui %ge3A_59 : i1 to i32
    %add3A_61 = arith.constant 78 : i32
    %add3A_62 = arith.addi %add3A_61, %convert_element_type3A_60 : i32
    %mul3A_63 = arith.constant 8 : i32
    %mul3A_64 = arith.muli %add3A_62, %mul3A_63 : i32
    %parallel_loop3A_65 = arith.constant 0 : i32
    %parallel_loop3A_66 = arith.constant 1 : i32
    scf.for %parallel_loop3A_67 = %parallel_loop3A_65 to %mul3A_64 step %parallel_loop3A_66  : i32 {
      %parallel_loop3A_68 = arith.constant 16 : i32
      %parallel_loop3A_69 = arith.muli %parallel_loop3A_67, %parallel_loop3A_68 : i32
      %parallel_loop3A_70 = arith.addi %mul3A_57, %parallel_loop3A_69 : i32
      %parallel_loop3A_71 = arith.constant 0 : i32
      %parallel_loop3A_72 = arith.index_cast %parallel_loop3A_71 : i32 to index
      %parallel_loop3A_73 = arith.index_cast %parallel_loop3A_70 : i32 to index
      %parallel_loop3A_74 = tpu.vector_load %arg8[%parallel_loop3A_72, %parallel_loop3A_73] {strides = array<i32>} : memref<2x20224xi32, #tpu.memory_space<vmem>>, vector<16xi32>,
      %parallel_loop3A_75 = tpu.vector_load_idx %arg16[%parallel_loop3A_74] : memref<10240xf32, #tpu.memory_space<vmem>>[vector<16xi32>], vector<16xf32>,
      %parallel_loop3A_76 = arith.constant 16 : i32
      %parallel_loop3A_77 = arith.muli %parallel_loop3A_67, %parallel_loop3A_76 : i32
      %parallel_loop3A_78 = arith.addi %mul3A_57, %parallel_loop3A_77 : i32
      %parallel_loop3A_79 = arith.constant 1 : i32
      %parallel_loop3A_80 = arith.index_cast %parallel_loop3A_79 : i32 to index
      %parallel_loop3A_81 = arith.index_cast %parallel_loop3A_78 : i32 to index
      %parallel_loop3A_82 = tpu.vector_load %arg8[%parallel_loop3A_80, %parallel_loop3A_81] {strides = array<i32>} : memref<2x20224xi32, #tpu.memory_space<vmem>>, vector<16xi32>,
      tpu.vector_store_idx %arg10[%parallel_loop3A_82], %parallel_loop3A_75 {add = true} : memref<10240xf32, #tpu.memory_space<vmem>>[vector<16xi32>], vector<16xf32>,
    } {sc.loop_unroll_factor = 4 : i64, sc.parallel_access}
    "tpu.region"() ({
      %run_scoped3A = tpu.sem_alloc : memref<!tpu.dma_semaphore, #tpu.memory_space<semaphore_mem>>
      %dma_start3A_67 = arith.constant 0 : i32
      %dma_start3A_68 = tpu.memref_slice %arg5[%add3A, %dma_start3A_67] : memref<32x10240xf32, #tpu.memory_space<hbm>> -> memref<1x10240xf32, #tpu.memory_space<hbm>>
      %dma_start3A_69 = tpu.memref_squeeze %dma_start3A_68 : memref<1x10240xf32, #tpu.memory_space<hbm>> -> memref<10240xf32, #tpu.memory_space<hbm>>
      %dma_start3A_70 = arith.constant 0 : i32
      %dma_start3A_71 = tpu.memref_slice %arg5[%add3A, %dma_start3A_70] : memref<32x10240xf32, #tpu.memory_space<hbm>> -> memref<1x10240xf32, #tpu.memory_space<hbm>>
      %dma_start3A_72 = tpu.memref_squeeze %dma_start3A_71 : memref<1x10240xf32, #tpu.memory_space<hbm>> -> memref<10240xf32, #tpu.memory_space<hbm>>
      tpu.enqueue_dma source(%arg10 : memref<10240xf32, #tpu.memory_space<vmem>>) target(%dma_start3A_72 : memref<10240xf32, #tpu.memory_space<hbm>>) target_semaphore(%run_scoped3A : memref<!tpu.dma_semaphore, #tpu.memory_space<semaphore_mem>>)
      %dma_wait3A_73 = arith.constant 0 : i32
      %dma_wait3A_74 = tpu.memref_slice %arg5[%add3A, %dma_wait3A_73] : memref<32x10240xf32, #tpu.memory_space<hbm>> -> memref<1x10240xf32, #tpu.memory_space<hbm>>
      %dma_wait3A_75 = tpu.memref_squeeze %dma_wait3A_74 : memref<1x10240xf32, #tpu.memory_space<hbm>> -> memref<10240xf32, #tpu.memory_space<hbm>>
      %dma_wait3A_76 = arith.constant 0 : i32
      %dma_wait3A_77 = tpu.memref_slice %arg5[%add3A, %dma_wait3A_76] : memref<32x10240xf32, #tpu.memory_space<hbm>> -> memref<1x10240xf32, #tpu.memory_space<hbm>>
      %dma_wait3A_78 = tpu.memref_squeeze %dma_wait3A_77 : memref<1x10240xf32, #tpu.memory_space<hbm>> -> memref<10240xf32, #tpu.memory_space<hbm>>
      tpu.wait_dma2 semaphore(%run_scoped3A : memref<!tpu.dma_semaphore, #tpu.memory_space<semaphore_mem>>) src(%arg10 : memref<10240xf32, #tpu.memory_space<vmem>>) dst(%dma_wait3A_78 : memref<10240xf32, #tpu.memory_space<hbm>>)
      tpu.yield
    }) : () -> ()
    return
  }
}

module attributes {stable_mosaic.version = 14 : i64} {
  func.func @_tc_final_body(%arg0: memref<32x10240xf32, #tpu.memory_space<vmem>>, %arg1: memref<10240xf32, #tpu.memory_space<vmem>>, %arg2: memref<10240xf32, #tpu.memory_space<vmem>>, %arg3: memref<8x128xf32, #tpu.memory_space<vmem>>, %arg4: memref<10240xf32, #tpu.memory_space<vmem>>) attributes {dimension_semantics = [], scalar_prefetch = 0 : i64, scratch_operands = 0 : i64, tpu.core_type = #tpu.core_type<tc>} {
    %get3A = arith.constant 0 : index
    %get3A_0 = arith.constant 0 : index
    %get3A_1 = vector.load %arg0[%get3A, %get3A_0] : memref<32x10240xf32, #tpu.memory_space<vmem>>, vector<32x10240xf32>
    %reduce_sum3A = arith.constant dense<0.000000e+00> : vector<10240xf32>
    %reduce_sum3A_2 = vector.multi_reduction <add>, %get3A_1, %reduce_sum3A [0] : vector<32x10240xf32> to vector<10240xf32>
    %get3A_3 = arith.constant 0 : index
    %get3A_4 = vector.load %arg1[%get3A_3] : memref<10240xf32, #tpu.memory_space<vmem>>, vector<10240xf32>
    %mul3A = arith.mulf %get3A_4, %reduce_sum3A_2 : vector<10240xf32>
    %get3A_5 = arith.constant 0 : index
    %get3A_6 = vector.load %arg2[%get3A_5] : memref<10240xf32, #tpu.memory_space<vmem>>, vector<10240xf32>
    %add3A = arith.addf %mul3A, %get3A_6 : vector<10240xf32>
    %get3A_7 = arith.constant 0 : index
    %get3A_8 = arith.constant 0 : index
    %get3A_9 = vector.load %arg3[%get3A_7, %get3A_8] : memref<8x128xf32, #tpu.memory_space<vmem>>, vector<1x1xf32>
    %get3A_10 = vector.extract %get3A_9[0, 0] : f32 from vector<1x1xf32>
    %add3A_11 = vector.broadcast %get3A_10 : f32 to vector<10240xf32>
    %add3A_12 = arith.addf %add3A, %add3A_11 : vector<10240xf32>
    %logistic3A = arith.negf %add3A_12 : vector<10240xf32>
    %logistic3A_13 = math.exp %logistic3A : vector<10240xf32>
    %logistic3A_14 = arith.constant 1.000000e+00 : f32
    %logistic3A_15 = vector.broadcast %logistic3A_14 : f32 to vector<10240xf32>
    %logistic3A_16 = arith.addf %logistic3A_15, %logistic3A_13 : vector<10240xf32>
    %logistic3A_17 = arith.divf %logistic3A_15, %logistic3A_16 : vector<10240xf32>
    %swap3A = arith.constant 0 : index
    %swap3A_18 = vector.load %arg4[%swap3A] : memref<10240xf32, #tpu.memory_space<vmem>>, vector<10240xf32>
    tpu.vector_store %arg4[%swap3A], %logistic3A_17 {strides = array<i32>} : memref<10240xf32, #tpu.memory_space<vmem>>, vector<10240xf32>,
    return
  }
}

module attributes {stable_mosaic.version = 14 : i64} {
  func.func @_tc_z_body(%arg0: memref<10000x128xf32, #tpu.memory_space<vmem>>, %arg1: memref<128x128xf32, #tpu.memory_space<vmem>>, %arg2: memref<128x1xf32, #tpu.memory_space<vmem>>, %arg3: memref<128xf32, #tpu.memory_space<vmem>>, %arg4: memref<1xf32, #tpu.memory_space<vmem>>, %arg5: memref<80x128xf32, #tpu.memory_space<vmem>>, %arg6: memref<8x128xf32, #tpu.memory_space<vmem>>) attributes {dimension_semantics = [], scalar_prefetch = 0 : i64, scratch_operands = 0 : i64, tpu.core_type = #tpu.core_type<tc>} {
    %get3A = arith.constant 0 : index
    %get3A_0 = arith.constant 0 : index
    %get3A_1 = vector.load %arg1[%get3A, %get3A_0] : memref<128x128xf32, #tpu.memory_space<vmem>>, vector<128x128xf32>
    %get3A_2 = arith.constant 0 : index
    %get3A_3 = arith.constant 0 : index
    %get3A_4 = vector.load %arg2[%get3A_2, %get3A_3] : memref<128x1xf32, #tpu.memory_space<vmem>>, vector<128x1xf32>
    %dot_general3A = arith.constant dense<0.000000e+00> : vector<128x1xf32>
    %dot_general3A_5 = tpu.matmul %get3A_1, %get3A_4, %dot_general3A {dimension_numbers = #tpu.dot_dimension_numbers<[1], [0], [0], [1], [0, 0, 1, 1], [], []>, transpose_lhs_hint = false} : vector<128x128xf32>, vector<128x1xf32>, vector<128x1xf32> -> vector<128x1xf32>
    %get3A_6 = arith.constant 0 : index
    %get3A_7 = arith.constant 0 : index
    %get3A_8 = vector.load %arg0[%get3A_6, %get3A_7] : memref<10000x128xf32, #tpu.memory_space<vmem>>, vector<9984x128xf32>
    %reshape3A = vector.shape_cast %get3A_8 : vector<9984x128xf32> to vector<78x128x128xf32>
    %squeeze3A = vector.shape_cast %dot_general3A_5 : vector<128x1xf32> to vector<128xf32>
    %dot_general3A_9 = arith.constant dense<0.000000e+00> : vector<78x128xf32>
    %dot_general3A_10 = tpu.matmul %reshape3A, %squeeze3A, %dot_general3A_9 {dimension_numbers = #tpu.dot_dimension_numbers<[2], [0], [0, 1], [], [0, 0, 0, 1], [], []>, transpose_lhs_hint = false} : vector<78x128x128xf32>, vector<128xf32>, vector<78x128xf32> -> vector<78x128xf32>
    %swap3A = arith.constant 0 : index
    %swap3A_11 = arith.constant 0 : index
    %swap3A_12 = vector.load %arg5[%swap3A, %swap3A_11] : memref<80x128xf32, #tpu.memory_space<vmem>>, vector<78x128xf32>
    tpu.vector_store %arg5[%swap3A, %swap3A_11], %dot_general3A_10 {strides = array<i32>} : memref<80x128xf32, #tpu.memory_space<vmem>>, vector<78x128xf32>,
    %get3A_13 = arith.constant 9984 : index
    %get3A_14 = arith.constant 0 : index
    %get3A_15 = vector.load %arg0[%get3A_13, %get3A_14] : memref<10000x128xf32, #tpu.memory_space<vmem>>, vector<16x128xf32>
    %jit3A = arith.constant 0 : i32
    %convert_element_type3A = arith.sitofp %jit3A : i32 to f32
    %pad3A = vector.broadcast %convert_element_type3A : f32 to vector<240x128xf32>
    %pad3A_16 = tpu.concatenate %get3A_15, %pad3A in 0 : vector<16x128xf32>, vector<240x128xf32> -> vector<256x128xf32>
    %reshape3A_17 = vector.shape_cast %pad3A_16 : vector<256x128xf32> to vector<2x128x128xf32>
    %squeeze3A_18 = vector.shape_cast %dot_general3A_5 : vector<128x1xf32> to vector<128xf32>
    %dot_general3A_19 = arith.constant dense<0.000000e+00> : vector<2x128xf32>
    %dot_general3A_20 = tpu.matmul %reshape3A_17, %squeeze3A_18, %dot_general3A_19 {dimension_numbers = #tpu.dot_dimension_numbers<[2], [0], [0, 1], [], [0, 0, 0, 1], [], []>, transpose_lhs_hint = false} : vector<2x128x128xf32>, vector<128xf32>, vector<2x128xf32> -> vector<2x128xf32>
    %swap3A_21 = arith.constant 78 : index
    %swap3A_22 = arith.constant 0 : index
    %swap3A_23 = vector.load %arg5[%swap3A_21, %swap3A_22] : memref<80x128xf32, #tpu.memory_space<vmem>>, vector<2x128xf32>
    tpu.vector_store %arg5[%swap3A_21, %swap3A_22], %dot_general3A_20 {strides = array<i32>} : memref<80x128xf32, #tpu.memory_space<vmem>>, vector<2x128xf32>,
    %get3A_24 = arith.constant 0 : index
    %get3A_25 = vector.load %arg3[%get3A_24] : memref<128xf32, #tpu.memory_space<vmem>>, vector<128xf32>
    %get3A_26 = arith.constant 0 : index
    %get3A_27 = arith.constant 0 : index
    %get3A_28 = vector.load %arg2[%get3A_26, %get3A_27] : memref<128x1xf32, #tpu.memory_space<vmem>>, vector<128x1xf32>
    %squeeze3A_29 = vector.shape_cast %get3A_28 : vector<128x1xf32> to vector<128xf32>
    %mul3A = arith.mulf %get3A_25, %squeeze3A_29 : vector<128xf32>
    %reduce_sum3A = vector.shape_cast %mul3A : vector<128xf32> to vector<1x128xf32>
    %reduce_sum3A_30 = arith.constant dense<0.000000e+00> : vector<1xf32>
    %reduce_sum3A_31 = vector.multi_reduction <add>, %reduce_sum3A, %reduce_sum3A_30 [1] : vector<1x128xf32> to vector<1xf32>
    %reduce_sum3A_32 = vector.shape_cast %reduce_sum3A_31 : vector<1xf32> to vector<1x1xf32>
    %reduce_sum3A_33 = vector.extract %reduce_sum3A_32[0, 0] : f32 from vector<1x1xf32>
    %get3A_34 = arith.constant 0 : index
    %get3A_35 = vector.load %arg4[%get3A_34] : memref<1xf32, #tpu.memory_space<vmem>>, vector<1xf32>
    %get3A_36 = vector.extract %get3A_35[0] : f32 from vector<1xf32>
    %add3A = arith.addf %reduce_sum3A_33, %get3A_36 : f32
    %broadcast_in_dim3A = vector.broadcast %add3A : f32 to vector<8x128xf32>
    %swap3A_37 = arith.constant 0 : index
    %swap3A_38 = arith.constant 0 : index
    %swap3A_39 = vector.load %arg6[%swap3A_37, %swap3A_38] : memref<8x128xf32, #tpu.memory_space<vmem>>, vector<8x128xf32>
    tpu.vector_store %arg6[%swap3A_37, %swap3A_38], %broadcast_in_dim3A {strides = array<i32>} : memref<8x128xf32, #tpu.memory_space<vmem>>, vector<8x128xf32>,
    return
  }
}

</mosaic_0001>

<sc_bundles>
// kernel: kernel.5.cloned.1.call-start
scs
__scs_entry_jumppad:
0x0: {  	(pc) =	sbr.rel $0x88, $3  }
0x1: {  	(tag) =	ssettag $0x0;
	lr =	simm.s32 $0x1  }
0x2: {  	[smem:$0x3F9B] =	sst lr;
	_ =	strace $0xD0000000  }
0x3: {  	_ = 	snop  }
0x4: {  	_ = 	snop  }
0x5: {  	_ = 	snop  }
0x6: {  	_ = 	snop  }
0x7: {  	_ = 	snop  }
__scs_overlays_trampoline_lowered:
0x8: {  	[smem:$0x3FAA] =	sst s0  }
0x9: {  	[smem:$0x3FAB] =	sst s1  }
0xa: {  	[smem:$0x3FAC] =	sst s2  }
0xb: {  	[smem:$0x3FAD] =	sst s3  }
0xc: {  	[smem:$0x3FAE] =	sst s4  }
0xd: {  	[smem:$0x3FAF] =	sst s5  }
0xe: {  	[smem:$0x3FB0] =	sst s6  }
0xf: {  	[smem:$0x3FB1] =	sst s7  }
0x10: {  	[smem:$0x3FB2] =	sst s8  }
0x11: {  	[smem:$0x3FB3] =	sst s9;
	s0 =	simm.s32 @!p0 $0x0  }
0x12: {  	s1 =	sld [smem:$0x3F99];
	s0 =	simm.s32 @p0 $0x1  }
0x13: {  	[smem:$0x3FB4] =	sst s0;
	s0 =	simm.s32 @!p1 $0x0  }
0x14: {  	s2 =	sld [smem:$0x3F98];
	s0 =	simm.s32 @p1 $0x1  }
0x15: {  	[smem:$0x3FB5] =	sst s0;
	s0 =	simm.s32 @!p2 $0x0  }
0x16: {  	s3 =	sld [smem:$0x3FDB];
	s0 =	simm.s32 @p2 $0x1  }
0x17: {  	s4 =	simm.s32 $0x1BF5;
	[smem:$0x3FB7] =	sst s0  }
0x18: {  	s0 =	sld [smem:$0x3F9A];
	_ =	swait.ge [sflag:s4], $0x0  }
0x19: {  	s7 =	sld [smem:$0x3F9B]  }
0x1a: {  	s8 =	sadd.s32 $0xFFFFE003, lr  }
0x1b: {  	s9 =	sadd.s32 $0xFFFFFEF7, lr;
	s5 =	simm.s32 $0xFFFFFFFF;
	p2 =	slt.u32 s8, $0xFFFFF086  }
0x1c: {  	p1 =	slt.u32 s9, $0xF7A;
	s5 =	simm.s32 @!p2 $0x0  }
0x1d: {  	s5 =	simm.s32 @p1 $0x1;
	p0 =	seq.s32 s7, s2  }
0x1e: {  	s7 =	smul.u32 @!p0 $0xF7A, s2;
	p2 =	seq.s32 @!p0 s5, $0x0  }
0x1f: {  	s9 =	smul.u32 $0xF7A, s1;
	s8 =	simm.s32 @!p0 $0x1BF5;
	p2 =	por !p2, p0  }
0x20: {  	[sflag:s8] =	ssyncset.s32 @!p0 $0xFFFFF086;
	s6 =	sadd.s32 @!p0 s3, s7;
	s7 =	simm.s32 @!p0 $0x108  }
0x21: {  	s3 =	sadd.s32 s3, s9;
	s6 =	sadd.s32 @!p0 $0x88, s6;
	s7 =	simm.s32 @p2 $0x1082  }
0x22: {  	[simem:s7], [sflag:s8] =	dma.local @!p0 [hbm:s6], $0xF7A  }
0x23: {  	s9 =	sor.u32 $0xD0000000, s2;
	s6 =	simm.s32 $0x108;
	_ =	swait.ge @!p0 [sflag:s8], $0x0  }
0x24: {  	s3 =	sadd.s32 $0x88, s3;
	s6 =	simm.s32 @!p1 $0x1082;
	[sflag:s4] =	ssyncset.s32 $0xFFFFF086  }
0x25: {  	[simem:s6], [sflag:s4] =	dma.local [hbm:s3], $0xF7A  }
0x26: {  	[smem:$0x3F9B] =	sst s1;
	(tag) =	ssettag s2;
	_ =	strace s9  }
0x27: {  	s1 =	sld [smem:$0x3FAB]  }
0x28: {  	s2 =	sld [smem:$0x3FAC]  }
0x29: {  	s4 =	sld [smem:$0x3FAE]  }
0x2a: {  	p0 =	seq.s32 s5, $0x0;
	s5 =	sld [smem:$0x3FAF]  }
0x2b: {  	s6 =	sld [smem:$0x3FB0]  }
0x2c: {  	s7 =	sld [smem:$0x3FB1]  }
0x2d: {  	s3 =	simm.s32 $0x108;
	s8 =	sld [smem:$0x3FB2]  }
0x2e: {  	s3 =	simm.s32 @!p0 $0x1082;
	s9 =	sld [smem:$0x3FB3]  }
0x2f: {  	lr =	sadd.s32 s0, s3;
	s0 =	sld [smem:$0x3FAA]  }
0x30: {  	s3 =	sld [smem:$0x3FAD]  }
0x31: {  	[smem:$0x3FB6] =	sst s10  }
0x32: {  	s10 =	sld [smem:$0x3FB4];
	_ =	sdelay $0x3  }
0x33: {  	p0 =	seq.s32 s10, $0x1;
	s10 =	sld [smem:$0x3FB6];
	_ =	sdelay $0x3  }
0x34: {  	[smem:$0x3FB6] =	sst s10  }
0x35: {  	s10 =	sld [smem:$0x3FB5];
	_ =	sdelay $0x3  }
0x36: {  	p1 =	seq.s32 s10, $0x1;
	s10 =	sld [smem:$0x3FB6];
	_ =	sdelay $0x3  }
0x37: {  	[smem:$0x3FB6] =	sst s10  }
0x38: {  	s10 =	sld [smem:$0x3FB7]  }
0x39: {  	_ = 	snop;
	(pc) =	sbr.ind lr, $3  }
0x3a: {  	_ = 	snop  }
0x3b: {  	_ = 	snop  }
0x3c: {  	p2 =	seq.s32 s10, $0x1;
	s10 =	sld [smem:$0x3FB6]  }
0x3d: {  	_ =	shalt  }
0x3e: {  	_ =	shalt  }
0x3f: {  	_ =	shalt  }
0x40: {  	_ =	shalt  }
0x41: {  	_ =	shalt  }
0x42: {  	_ =	shalt  }
0x43: {  	_ =	shalt  }
0x44: {  	_ =	shalt  }
0x45: {  	_ =	shalt  }
0x46: {  	_ =	shalt  }
0x47: {  	_ =	shalt  }
0x48: {  	_ =	shalt  }
0x49: {  	_ =	shalt  }
0x4a: {  	_ =	shalt  }
0x4b: {  	_ =	shalt  }
0x4c: {  	_ =	shalt  }
0x4d: {  	_ =	shalt  }
0x4e: {  	_ =	shalt  }
0x4f: {  	_ =	shalt  }
0x50: {  	_ =	shalt  }
0x51: {  	_ =	shalt  }
0x52: {  	_ =	shalt  }
0x53: {  	_ =	shalt  }
0x54: {  	_ =	shalt  }
0x55: {  	_ =	shalt  }
0x56: {  	_ =	shalt  }
0x57: {  	_ =	shalt  }
0x58: {  	_ =	shalt  }
0x59: {  	_ =	shalt  }
0x5a: {  	_ =	shalt  }
0x5b: {  	_ =	shalt  }
0x5c: {  	_ =	shalt  }
0x5d: {  	_ =	shalt  }
0x5e: {  	_ =	shalt  }
0x5f: {  	_ =	shalt  }
0x60: {  	_ =	shalt  }
0x61: {  	_ =	shalt  }
0x62: {  	_ =	shalt  }
0x63: {  	_ =	shalt  }
0x64: {  	_ =	shalt  }
0x65: {  	_ =	shalt  }
0x66: {  	_ =	shalt  }
0x67: {  	_ =	shalt  }
0x68: {  	_ =	shalt  }
0x69: {  	_ =	shalt  }
0x6a: {  	_ =	shalt  }
0x6b: {  	_ =	shalt  }
0x6c: {  	_ =	shalt  }
0x6d: {  	_ =	shalt  }
0x6e: {  	_ =	shalt  }
0x6f: {  	_ =	shalt  }
0x70: {  	_ =	shalt  }
0x71: {  	_ =	shalt  }
0x72: {  	_ =	shalt  }
0x73: {  	_ =	shalt  }
0x74: {  	_ =	shalt  }
0x75: {  	_ =	shalt  }
0x76: {  	_ =	shalt  }
0x77: {  	_ =	shalt  }
0x78: {  	_ =	shalt  }
0x79: {  	_ =	shalt  }
0x7a: {  	_ =	shalt  }
0x7b: {  	_ =	shalt  }
0x7c: {  	_ =	shalt  }
0x7d: {  	_ =	shalt  }
0x7e: {  	_ =	shalt  }
0x7f: {  	_ =	shalt  }
0x80: {  	_ =	shalt  }
0x81: {  	_ =	shalt  }
0x82: {  	_ =	shalt  }
0x83: {  	_ =	shalt  }
0x84: {  	_ =	shalt  }
0x85: {  	_ =	shalt  }
0x86: {  	_ =	shalt  }
0x87: {  	_ =	shalt  }
.Lfunc_end0:
.L_simem_size_0:
called_computation_lowered:
.L_overlay_start_0:
0x88: {  	s2 =	sld [smem:$0x3FD9]  }
0x89: {  	s3 =	sld [smem:$0x3FFE];
	_ =	sdelay $0x1  }
0x8a: {  	s1 =	srdreg.scid  }
0x8b: {  	s0 =	sand.u32 $0x1, s1  }
0x8c: {  	s17 =	sshll.u32 s0, $0xA;
	s2 =	sadd.s32 s3, s2  }
0x8d: {  	s2 =	sadd.s32 s2, s17  }
0x8e: {  	[smem:$0x3FC2] =	sst s2  }
0x8f: {  	_ = 	snop  }
0x90: {  	s2 =	sld [smem:$0x3FC8]  }
0x91: {  	s18 =	sld [smem:$0x3FD0];
	(tm) =	ssettm $0x1  }
0x92: {  	s4 =	sld [smem:$0x3FFB];
	_ =	sdelay $0x3  }
0x93: {  	_ =	strace s4  }
0x94: {  	s4 =	sld [smem:$0x3FFC];
	_ =	sdelay $0x3  }
0x95: {  	_ =	strace s4  }
0x96: {  	s4 =	sld [smem:$0x3FFD];
	_ =	sdelay $0x3  }
0x97: {  	_ =	strace s4  }
0x98: {  	_ =	strace $0x8FFFFFFF  }
0x99: {  	s19 =	sld [smem:$0x3FDB];
	_ =	sdelay $0x1  }
0x9a: {  	s5 =	simm.s32 $_scs_section_size  }
0x9b: {  	s6 =	simm.s32 $_size__tile_overlayer_lowered;
	s7 =	simm.s32 $_tile_overlayer_lowered  }
0x9c: {  	s22 =	simm.s32 $0x1BFF;
	s21 =	sshll.u32 s7, $0x1;
	s4 =	sadd.s32 s5, s19  }
0x9d: {  	s8 =	simm.s32 $0x0;
	s20 =	sshll.u32 s6, $0x1;
	s6 =	sadd.s32 s21, s4  }
0x9e: {  	[timem:s8], [sflag:s22] =	dma.local [hbm:s6], s20  }
0x9f: {  	_ =	swait.ge [sflag:s22], s20  }
0xa0: {  	s5 =	ssub.s32 $0x0, s20;
	[sflag:s22] =	ssyncset.done $0x0  }
0xa1: {  	[sflag:s22] =	ssyncadd.s32 s5;
	_ =	sdelay $0x1  }
0xa2: {  	s23 =	simm.s32 $0x1B8B  }
0xa3: {  	_ =	swait.ge [sflag:s23], $0x1  }
0xa4: {  	[sflag:s23] =	ssyncset.done $0x0  }
0xa5: {  	s25 =	simm.s32 $0x1B8E;
	s24 =	sld [smem:$0x3FFE];
	[sflag:s23] =	ssyncadd.s32 $0xFFFFFFFF  }
0xa6: {  	s26 =	simm.s32 $execute0_lowered;
	[smem:$0x3FD2] =	sst s25  }
0xa7: {  	s6 =	sshll.u32 s26, $0x1;
	_ =	strace $0x80000046;
	[dreg:$0x1] =	wrdreg $0xFFFFFFFF  }
0xa8: {  	s28 =	simm.s32 $_size_execute0_lowered;
	s4 =	sadd.s32 s4, s6;
	[dreg:$0x0] =	wrdreg $0x0  }
0xa9: {  	s6 =	sshll.u32 s28, $0x1;
	[dreg:$0x2] =	wrdreg s4  }
0xaa: {  	[dreg:$0x3] =	wrdreg s6  }
0xab: {  	[dreg:$0x4] =	wrdreg $0xC0  }
0xac: {  	_ =	task [dreg:s8], $0x5FFFF  }
0xad: {  	[dreg:$0x1] =	wrdreg $0xFFFFFFFF  }
0xae: {  	[dreg:$0x0] =	wrdreg $0x60  }
0xaf: {  	[dreg:$0x2] =	wrdreg s2  }
0xb0: {  	[dreg:$0x3] =	wrdreg s18  }
0xb1: {  	[dreg:$0x4] =	wrdreg s24  }
0xb2: {  	[dreg:$0x5] =	wrdreg $0x148000  }
0xb3: {  	[dreg:$0x6] =	wrdreg $0x170000  }
0xb4: {  	[dreg:$0x7] =	wrdreg $0x9  }
0xb5: {  	_ =	task.clear_ibuf [dreg:s8], $0x8FFFF;
	_ =	strace $0x90000046  }
0xb6: {  	s29 =	simm.s32 $0x9;
	_ =	strace $0x80000048  }
0xb7: {  	_ =	swait.ge [sflag:s29], $0x1  }
0xb8: {  	[sflag:s29] =	ssyncadd.s32 $0xFFFFFFFF  }
0xb9: {  	_ =	strace $0x90000048  }
0xba: {  	_ =	sfence  }
0xbb: {  	s30 =	sld [smem:$0x0];
	_ =	sdelay $0x2  }
0xbc: {  	s31 =	sshll.u32 s1, $0xD;
	s1 =	sshrl.u32 s1, $0x2  }
0xbd: {  	s3 =	sand.u32 $0x4000, s31;
	s1 =	sadd.s32 s1, s30  }
0xbe: {  	s0 =	sor.u32 s3, s0;
	s1 =	sshll.u32 s1, $0x11  }
0xbf: {  	s0 =	sor.u32 s1, s0  }
0xc0: {  	s0 =	sadd.s32 $0x8F2B, s0  }
0xc1: {  	[sflag:s0] =	ssyncadd.remote.s32 $0x1  }
0xc2: {  	_ =	sfence.sel $0xFFFF  }
0xc3: {  	[dreg:$0x0] =	wrdreg $0xFFFFFFFF;
	(pc) =	sbr.abs _section_cstart, $3  }
0xc4: {  	[dreg:$0x1] =	wrdreg $0xFFFFFFFF  }
0xc5: {  	_ =	task.clear_ibuf [dreg:s8], $0x2FFFF;
	_ =	strace $0x9FFFFFFF  }
0xc6: {  	(tm) =	ssettm $0x7FFFFFFF  }
0xc7: {  	_ =	shalt  }
tec
execute0_lowered:
.L_overlay_start_1:
0x0: {  	(tag) =	ssettag $0x1  }
0x1: {  	s1 =	rddreg [dreg:$0x0]  }
0x2: {  	s2 =	rddreg [dreg:$0x1]  }
0x3: {  	s5 =	rddreg [dreg:$0x2]  }
0x4: {  	s6 =	rddreg [dreg:$0x3];
	s0 =	srdreg.scid  }
0x5: {  	s17 =	stileid.u32;
	s18 =	rddreg [dreg:$0x4];
	s3 =	simm.s32 $0x0  }
0x6: {  	s29 =	simm.s32 $0x2;
	s31 =	simm.s32 $0x12000;
	s0 =	sand.u32 $0x1, s0  }
0x7: {  	s8 =	sshll.u32 s17, $0x1;
	s7 =	sshrl.u32 s17, $0x2;
	s9 =	smul.u32 $0x280, s17  }
0x8: {  	[smem:$0x7FF] =	sst s3;
	s10 =	smul.u32 $0x9C, s17;
	s30 =	sshrl.u32 s17, $0x3  }
0x9: {  	p0 =	sgt.u32 s17, $0xD;
	s19 =	smul.u32 $0x5000, s17;
	s20 =	sshll.u32 s17, $0x7  }
0xa: {  	s4 =	sor.u32 s0, s8;
	s7 =	smul.u32 $0x14000, s7;
	_ =	strace $0x80000047  }
0xb: {  	s12 =	smax.u32 s8, $0x1C;
	s13 =	ssub.s32 $0x2, s0;
	s16 =	ssub.s32 $0x0, s0  }
0xc: {  	s22 =	smax.u32 s8, $0x1B;
	s4 =	sshll.u32 s4, $0x7;
	s26 =	sshrl.u32 s9, $0x3  }
0xd: {  	s12 =	sadd.s32 s10, s12;
	s14 =	sshrl.u32 s13, $0x1;
	s23 =	sadd.s32 s9, s18  }
0xe: {  	s18 =	simm.s32 $0x9E00;
	s4 =	sand.u32 $0x380, s4;
	s12 =	sadd.s32 $0xFFFFFFE4, s12  }
0xf: {  	s15 =	ssub.s32 s13, s14;
	s13 =	sadd.s32 s2, s26;
	s14 =	smul.u32 $0x50000, s30  }
0x10: {  	s2 =	sshrl.u32 s19, $0x2;
	[dreg:$0xa] =	wrdreg s23;
	s30 =	sshll.u32 s16, $0x1  }
0x11: {  	s19 =	simm.s32 $0xC600;
	s7 =	sor.u32 s7, s4;
	s4 =	sadd.s32 $0x1800, s5  }
0x12: {  	s28 =	sshll.u32 s12, $0x5;
	[dreg:$0x7] =	wrdreg s13;
	s13 =	sand.u32 $0x380, s20  }
0x13: {  	s21 =	sadd.s32 s2, s6;
	s20 =	simm.s32 $0x1;
	s7 =	sshrl.u32 s7, $0x3  }
0x14: {  	s1 =	sadd.s32 s1, s28;
	[dreg:$0x9] =	wrdreg s21;
	s28 =	smax.u32 s15, $0x1  }
0x15: {  	s21 =	simm.s32 $0x3;
	s11 =	sadd.s32 s7, s5;
	s5 =	sadd.s32 s26, s5  }
0x16: {  	[dreg:$0x6] =	wrdreg s1;
	s7 =	simm.s32 $0x4F0;
	s1 =	sshrl.u32 s14, $0x2  }
0x17: {  	[dreg:$0xe] =	wrdreg s28;
	s7 =	simm.s32 @!p0 $0x4E0;
	s24 =	sadd.s32 $0xBE00, s5  }
0x18: {  	s1 =	sadd.s32 s1, s6;
	s25 =	sadd.s32 $0xC400, s5;
	[dreg:$0xb] =	wrdreg s24  }
0x19: {  	s26 =	sadd.s32 $0x1E00, s11;
	s1 =	sadd.s32 s13, s1;
	[dreg:$0xc] =	wrdreg s25  }
0x1a: {  	s11 =	simm.s32 $0x80;
	[dreg:$0x8] =	wrdreg s1;
	s1 =	sadd.s32 s22, s10  }
0x1b: {  	s13 =	simm.s32 $0x278;
	[dreg:$0xd] =	wrdreg s26;
	s1 =	ssub.s32 s1, s12  }
0x1c: {  	s24 =	simm.s32 $0x5;
	s13 =	simm.s32 @!p0 $0x270;
	s1 =	sshll.u32 s1, $0x8  }
0x1d: {  	p0 =	sne.s32 s0, $0x0;
	s0 =	simm.s32 $0x0;
	s1 =	sadd.s32 $0x3300, s1  }
0x1e: {  	v0 =	vimm.f32 $1.000000000e+00;
	s12 =	simm.s32 $0x400;
	s16 =	sand.u32 s30, s1;
	s1 =	simm.s32 $0x4  }
.LBB2_1:
0x1f: {  	s2 =	rddreg [dreg:$0x6]  }
0x20: {  	[tilespmem:s3], [sflag:$0x1] =	stream.linear.gather [hbm4b:s2+s3], $0x9E00, $0x38;
	[tilespmem:$0x17280] =	vst v63  }
0x21: {  	s26 =	rddreg [dreg:$0x7];
	s5 =	simm.s32 $0x11600  }
0x22: {  	[tilespmem:s5], [sflag:$0x2] =	stream.linear.gather [hbm4b:s26+s3], $0x280, $0x38;
	[tilespmem:$0x17280] =	vst v63  }
0x23: {  	_ = 	snop  }
0x24: {  	[tilespmem:s18], [sflag:$0x3] =	stream.linear.gather [hbm4b:s4+s3], $0x2800, $0x38;
	[tilespmem:$0x17280] =	vst v63  }
0x25: {  	_ = 	snop  }
0x26: {  	[tilespmem:s19], [sflag:$0x4] =	stream.linear.gather [hbm4b:s4+s3], $0x2800, $0x38;
	[tilespmem:$0x17280] =	vst v63  }
0x27: {  	_ =	swait.ge [sflag:s20], $0x9E00  }
0x28: {  	p1 =	por $0x0, $0x0;
	s2 =	simm.s32 $0x1;
	[sflag:s20] =	ssyncset.done $0x0  }
0x29: {  	s2 =	simm.s32 @!p1 $0x0;
	[sflag:s20] =	ssyncadd.s32 $0xFFFF6200  }
0x2a: {  	s2 =	sshll.u32 s2, $0x6;
	_ =	swait.ge [sflag:s21], $0x2800  }
0x2b: {  	s2 =	sadd.s32 $0x0, s2;
	[sflag:s21] =	ssyncset.done $0x0  }
0x2c: {  	s30 =	sor.u32 $0x90, s2;
	[sflag:s21] =	ssyncadd.s32 $0xFFFFD800  }
0x2d: {  	s28 =	sor.u32 $0xB0, s2;
	s6 =	sor.u32 $0x80, s2;
	s2 =	sor.u32 $0xA0, s2;
	v2 =	vld [tilespmem:s30+$0x0]  }
0x2e: {  	p3 =	sgt.u32 s7, $0x4;
	v3 =	vld [tilespmem:s2+$0x0]  }
.Ltmp0:
0x2f: {  	_ = 	snop;
	(pc) =	sbr.rel @!p3 .LBB2_2-.Ltmp0, $3  }
0x30: {  	_ =	sdelay $0x1  }
0x31: {  	v1 =	vld [tilespmem:s28+$0x0]  }
0x32: {  	p2 =	por !p1, !p1;
	v5 =	vld [tilespmem:s6+$0x0]  }
0x33: {  	_ =	sdelay $0x3  }
0x34: {  	s2 =	simm.s32 $0x1  }
0x35: {  	s2 =	simm.s32 @!p2 $0x0  }
0x36: {  	s2 =	sshll.u32 s2, $0x6  }
0x37: {  	p3 =	sgt.u32 s7, $0x8;
	s2 =	sadd.s32 $0x80, s2;
	[tilespmem:v1+s18+$0x0] =	vst.idx.add.f32.msk $0xffff, v0  }
.Ltmp1:
0x38: {  	s5 =	sor.u32 $0xB0, s2;
	[tilespmem:v5+s18+$0x0] =	vst.idx.add.f32.msk $0xffff, v0;
	(pc) =	sbr.rel @!p3 .LBB2_4-.Ltmp1, $4  }
0x39: {  	s6 =	sor.u32 $0x80, s2;
	v1 =	vld [tilespmem:s5+$0x0]  }
0x3a: {  	s28 =	sor.u32 $0x90, s2;
	v7 =	vld [tilespmem:s6+$0x0]  }
0x3b: {  	p1 =	por $0x1, $0x1;
	s30 =	sor.u32 $0xA0, s2;
	v6 =	vld [tilespmem:s28+$0x0]  }
0x3c: {  	p2 =	por !p2, !p2;
	s2 =	simm.s32 $0x8;
	v4 =	vld [tilespmem:s30+$0x0];
	s5 =	simm.s32 $0x80  }
.LBB2_5:
0x3d: {  	s6 =	simm.s32 $0x1  }
0x3e: {  	s2 =	sadd.s32 $0x4, s2;
	[tilespmem:v2+s18+$0x0] =	vst.idx.add.f32.msk $0xffff, v0;
	s6 =	simm.s32 @!p2 $0x0  }
0x3f: {  	s5 =	sadd.s32 $0x80, s5;
	p3 =	slt.u32 s2, s7;
	v5 =	vmov v7;
	s6 =	sshll.u32 s6, $0x6;
	[tilespmem:v3+s18+$0x0] =	vst.idx.add.f32.msk $0xffff, v0  }
0x40: {  	v2 =	vmov v6;
	s6 =	sadd.s32 s6, s5  }
0x41: {  	v3 =	vmov v4;
	s8 =	sor.u32 $0x80, s6;
	s9 =	sor.u32 $0x90, s6;
	s10 =	sor.u32 $0xB0, s6;
	[tilespmem:v1+s18+$0x0] =	vst.idx.add.f32.msk $0xffff, v0  }
.Ltmp2:
0x42: {  	s6 =	sor.u32 $0xA0, s6;
	v1 =	vld [tilespmem:s10+$0x0];
	(pc) =	sbr.rel @p3 .LBB2_5-.Ltmp2, $4  }
0x43: {  	v7 =	vld [tilespmem:s8+$0x0]  }
0x44: {  	v6 =	vld [tilespmem:s9+$0x0]  }
0x45: {  	v4 =	vld [tilespmem:s6+$0x0]  }
0x46: {  	p2 =	por !p2, !p2;
	[tilespmem:v5+s18+$0x0] =	vst.idx.add.f32.msk $0xffff, v0  }
0x47: {  	_ =	sdelay $0x2  }
0x48: {  	v8 =	vmovc v2;
	v9 =	vmovc v3;
	v5 =	vmov v7;
	v2 =	vmov v6;
	v3 =	vmov v4  }
.LBB2_7:
0x49: {  	_ =	sdelay $0x3  }
0x4a: {  	[tilespmem:v8+s18+$0x0] =	vst.idx.add.f32.msk @p1 $0xffff, v0  }
0x4b: {  	[tilespmem:v9+s18+$0x0] =	vst.idx.add.f32.msk @p1 $0xffff, v0  }
0x4c: {  	[tilespmem:v1+s18+$0x0] =	vst.idx.add.f32.msk $0xffff, v0  }
0x4d: {  	[tilespmem:v5+s18+$0x0] =	vst.idx.add.f32.msk $0xffff, v0  }
0x4e: {  	[tilespmem:v2+s18+$0x0] =	vst.idx.add.f32.msk $0xffff, v0  }
0x4f: {  	[tilespmem:v3+s18+$0x0] =	vst.idx.add.f32.msk $0xffff, v0  }
0x50: {  	s2 =	rddreg [dreg:$0x8]  }
0x51: {  	[spmem:s2] =	stream.strided.scatter [tilespmem:s18], [sflag:$0x5], $0x2800, s12, s11, $0x38;
	[tilespmem:$0x17280] =	vst v63  }
0x52: {  	_ =	swait.ge [sflag:s24], $0x2800  }
0x53: {  	[sflag:s24] =	ssyncset.done $0x0  }
0x54: {  	[sflag:s24] =	ssyncadd.s32 $0xFFFFD800  }
0x55: {  	s5 =	simm.s32 $0x1400;
	[bflag:$0x0] =	sbarrier.arrive $0xFFFF  }
0x56: {  	s6 =	simm.s32 $0x14000;
	s8 =	simm.s32 $0xEE00;
	s25 =	rddreg [dreg:$0x9]  }
0x57: {  	[tilespmem:s8], [sflag:$0x5] =	stream.strided.gather [spmem:s25], $0x2800, s6, s5, $0x38;
	[tilespmem:$0x17280] =	vst v63  }
0x58: {  	_ =	swait.ge [sflag:s24], $0x2800  }
0x59: {  	[sflag:s24] =	ssyncset.done $0x0  }
0x5a: {  	s8 =	simm.s32 $0x0;
	[sflag:s24] =	ssyncadd.s32 $0xFFFFD800  }
0x5b: {  	s6 =	sand.u32 $0x60, s8;
	s5 =	sand.u32 $0x1C00, s8;
	_ =	swait.ge [sflag:s29], $0x280  }
0x5c: {  	s10 =	sadd.s32 $0xEE00, s5;
	s9 =	sor.u32 $0x10, s6;
	[sflag:s29] =	ssyncset.done $0x0  }
0x5d: {  	s26 =	sor.u32 s9, s10;
	[sflag:s29] =	ssyncadd.s32 $0xFFFFFD80  }
0x5e: {  	v1 =	vld [tilespmem:s26+$0x0]  }
0x5f: {  	s10 =	sor.u32 s6, s10;
	v2 =	vld [tilespmem:s26+$0x80]  }
0x60: {  	v3 =	vld [tilespmem:s10+$0x0]  }
0x61: {  	v4 =	vld [tilespmem:s26+$0x100]  }
0x62: {  	v5 =	vld [tilespmem:s10+$0x80]  }
0x63: {  	v6 =	vld [tilespmem:s26+$0x180]  }
0x64: {  	v7 =	vld [tilespmem:s10+$0x100]  }
0x65: {  	v8 =	vld [tilespmem:s26+$0x200]  }
0x66: {  	v9 =	vld [tilespmem:s10+$0x180]  }
0x67: {  	v10 =	vld [tilespmem:s26+$0x280]  }
0x68: {  	v11 =	vld [tilespmem:s10+$0x200]  }
0x69: {  	v12 =	vld [tilespmem:s26+$0x300]  }
0x6a: {  	v13 =	vld [tilespmem:s10+$0x280]  }
0x6b: {  	s22 =	sor.u32 $0x10200, s5;
	v14 =	vld [tilespmem:s26+$0x380]  }
0x6c: {  	s14 =	sor.u32 s9, s22;
	v15 =	vld [tilespmem:s10+$0x300]  }
0x6d: {  	v16 =	vld [tilespmem:s14+$0x0]  }
0x6e: {  	s23 =	sor.u32 $0x10300, s5;
	s22 =	sor.u32 s6, s22;
	v17 =	vld [tilespmem:s10+$0x380]  }
0x6f: {  	s11 =	sor.u32 s9, s23;
	v19 =	vld [tilespmem:s22+$0x0]  }
0x70: {  	s28 =	sadd.s32 $0x10500, s5;
	s23 =	sor.u32 s6, s23;
	v20 =	vld [tilespmem:s11+$0x0]  }
0x71: {  	s26 =	sor.u32 $0x10280, s5;
	v23 =	vld [tilespmem:s23+$0x0];
	s23 =	sor.u32 s9, s28  }
0x72: {  	s15 =	sor.u32 s9, s26;
	v27 =	vld [tilespmem:s23+$0x0]  }
0x73: {  	s22 =	sadd.s32 $0x10400, s5;
	s14 =	sor.u32 s6, s26;
	v18 =	vld [tilespmem:s15+$0x0]  }
0x74: {  	s11 =	sor.u32 s9, s22;
	v21 =	vld [tilespmem:s14+$0x0]  }
0x75: {  	s26 =	sor.u32 $0x10380, s5;
	s22 =	sor.u32 s6, s22;
	v24 =	vld [tilespmem:s11+$0x0]  }
0x76: {  	s15 =	sor.u32 s9, s26;
	v28 =	vld [tilespmem:s22+$0x0];
	v1 =	vadd.f32 v2, v1  }
0x77: {  	s14 =	sadd.s32 $0x10480, s5;
	s26 =	sor.u32 s6, s26;
	v22 =	vld [tilespmem:s15+$0x0]  }
0x78: {  	s15 =	sor.u32 s9, s14;
	v26 =	vld [tilespmem:s26+$0x0];
	s26 =	sadd.s32 $0x10580, s5;
	v1 =	vadd.f32 v4, v1  }
0x79: {  	v25 =	vld [tilespmem:s15+$0x0];
	s5 =	sor.u32 s9, s26  }
0x7a: {  	s23 =	simm.s32 $0x100;
	s14 =	sor.u32 s6, s14;
	v4 =	vld [tilespmem:s5+$0x0];
	s5 =	simm.s32 $0x20;
	v1 =	vadd.f32 v6, v1  }
0x7b: {  	s11 =	sand.u32 $0x1C00, s23;
	v29 =	vld [tilespmem:s14+$0x0];
	s26 =	sor.u32 s6, s26;
	s10 =	sand.u32 $0x60, s5  }
0x7c: {  	s15 =	sor.u32 s6, s28;
	s14 =	sadd.s32 $0xEE00, s11;
	v30 =	vld [tilespmem:s26+$0x0];
	s6 =	sor.u32 $0x10, s10;
	v1 =	vadd.f32 v8, v1  }
0x7d: {  	v3 =	vadd.f32 v5, v3;
	v6 =	vld [tilespmem:s15+$0x0];
	s15 =	sor.u32 s6, s14  }
0x7e: {  	v5 =	vld [tilespmem:s15+$0x0];
	v1 =	vadd.f32 v10, v1  }
0x7f: {  	v3 =	vadd.f32 v7, v3;
	s22 =	sor.u32 s10, s14;
	v8 =	vld [tilespmem:s15+$0x80]  }
0x80: {  	v7 =	vld [tilespmem:s22+$0x0];
	v1 =	vadd.f32 v12, v1  }
0x81: {  	v3 =	vadd.f32 v9, v3;
	v10 =	vld [tilespmem:s15+$0x100]  }
0x82: {  	v9 =	vld [tilespmem:s22+$0x80];
	v1 =	vadd.f32 v14, v1  }
0x83: {  	v3 =	vadd.f32 v11, v3;
	v12 =	vld [tilespmem:s15+$0x180]  }
0x84: {  	v11 =	vld [tilespmem:s15+$0x200];
	v5 =	vadd.f32 v8, v5;
	v1 =	vadd.f32 v16, v1  }
0x85: {  	v3 =	vadd.f32 v13, v3;
	v13 =	vld [tilespmem:s15+$0x280]  }
0x86: {  	v8 =	vld [tilespmem:s22+$0x100];
	v5 =	vadd.f32 v10, v5;
	v1 =	vadd.f32 v18, v1  }
0x87: {  	v3 =	vadd.f32 v15, v3;
	v7 =	vadd.f32 v9, v7;
	v9 =	vld [tilespmem:s15+$0x300]  }
0x88: {  	v10 =	vld [tilespmem:s22+$0x180];
	v5 =	vadd.f32 v12, v5;
	v1 =	vadd.f32 v20, v1  }
0x89: {  	v3 =	vadd.f32 v17, v3;
	v14 =	vld [tilespmem:s22+$0x300]  }
0x8a: {  	v12 =	vld [tilespmem:s22+$0x200];
	v5 =	vadd.f32 v11, v5;
	v1 =	vadd.f32 v22, v1  }
0x8b: {  	s23 =	sor.u32 $0x10200, s11;
	v3 =	vadd.f32 v19, v3;
	v7 =	vadd.f32 v8, v7;
	v8 =	vld [tilespmem:s15+$0x380]  }
0x8c: {  	s14 =	sor.u32 s6, s23;
	v11 =	vld [tilespmem:s22+$0x280];
	v5 =	vadd.f32 v13, v5;
	v1 =	vadd.f32 v24, v1  }
0x8d: {  	s28 =	sor.u32 $0x10280, s11;
	v3 =	vadd.f32 v21, v3;
	v7 =	vadd.f32 v10, v7;
	v10 =	vld [tilespmem:s14+$0x0]  }
0x8e: {  	s15 =	sor.u32 s6, s28;
	v13 =	vld [tilespmem:s22+$0x380];
	v5 =	vadd.f32 v9, v5;
	v1 =	vadd.f32 v25, v1  }
0x8f: {  	s12 =	simm.s32 $0x11600;
	v3 =	vadd.f32 v23, v3;
	s22 =	sor.u32 s10, s23;
	s23 =	sor.u32 $0x10300, s11;
	v7 =	vadd.f32 v12, v7;
	v9 =	vld [tilespmem:s15+$0x0]  }
0x90: {  	v2 =	vld [tilespmem:s12+$0x0];
	s14 =	sor.u32 s6, s23;
	v5 =	vadd.f32 v8, v5;
	v1 =	vadd.f32 v27, v1  }
0x91: {  	v3 =	vadd.f32 v26, v3;
	s15 =	sor.u32 s10, s28;
	s28 =	sor.u32 $0x10380, s11;
	v7 =	vadd.f32 v11, v7;
	v8 =	vld [tilespmem:s14+$0x0]  }
0x92: {  	v12 =	vld [tilespmem:s22+$0x0];
	s22 =	sor.u32 s6, s28;
	v5 =	vadd.f32 v10, v5;
	v1 =	vadd.f32 v4, v1  }
0x93: {  	s26 =	sadd.s32 $0x10400, s11;
	v3 =	vadd.f32 v28, v3;
	v4 =	vadd.f32 v14, v7;
	v7 =	vld [tilespmem:s22+$0x0]  }
0x94: {  	v11 =	vld [tilespmem:s15+$0x0];
	s14 =	sor.u32 s6, s26;
	v5 =	vadd.f32 v9, v5;
	v9 =	vadd.f32 $1.000000000e+00, v1  }
0x95: {  	s8 =	sand.u32 $0x380, s8;
	s23 =	sor.u32 s10, s23;
	s22 =	sadd.s32 $0x10480, s11;
	v1 =	vadd.f32 v13, v4;
	v4 =	vld [tilespmem:s14+$0x0];
	v13 =	vadd.f32 v29, v3  }
0x96: {  	s30 =	simm.s32 $0x40;
	s8 =	sor.u32 s8, s9;
	v10 =	vld [tilespmem:s23+$0x0];
	v5 =	vadd.f32 v8, v5;
	s15 =	sor.u32 s6, s22;
	v8 =	vshra.s32 v9, $0x1;
	v14 =	vmul.f32 $5.000000000e-01, v9  }
0x97: {  	s9 =	sand.u32 $0x60, s30;
	s23 =	sor.u32 s10, s28;
	s28 =	sadd.s32 $0x10500, s11;
	v1 =	vadd.f32 v12, v1;
	v12 =	vld [tilespmem:s15+$0x0];
	v6 =	vadd.f32 v6, v13;
	v8 =	vsub.s32 $0x5F3759DF, v8  }
0x98: {  	s12 =	sor.u32 s6, s28;
	s11 =	sadd.s32 $0x10580, s11;
	s22 =	sor.u32 s10, s22;
	v13 =	vld [tilespmem:s23+$0x0];
	v5 =	vadd.f32 v7, v5;
	v7 =	vmul.f32 v8, v14  }
0x99: {  	s14 =	sor.u32 s10, s26;
	s26 =	simm.s32 $0x200;
	s15 =	sor.u32 s6, s11;
	v1 =	vadd.f32 v11, v1;
	v11 =	vld [tilespmem:s12+$0x0];
	v6 =	vadd.f32 v30, v6  }
0x9a: {  	v15 =	vld [tilespmem:s14+$0x0];
	s23 =	sor.u32 s10, s28;
	s11 =	sor.u32 s10, s11;
	s10 =	sand.u32 $0x1C00, s26;
	v4 =	vadd.f32 v4, v5;
	v5 =	vmul.f32 v8, v7  }
0x9b: {  	s28 =	sor.u32 $0x10, s9;
	s12 =	sadd.s32 $0xEE00, s10;
	v1 =	vadd.f32 v10, v1;
	v7 =	vld [tilespmem:s15+$0x0];
	v6 =	vadd.f32 $1.000000000e+00, v6  }
0x9c: {  	s14 =	sor.u32 s28, s12;
	v10 =	vld [tilespmem:s22+$0x0];
	v4 =	vadd.f32 v12, v4;
	v5 =	vsub.f32 $1.500000000e+00, v5  }
0x9d: {  	v43 =	vld [tilespmem:s14+$0x80];
	v1 =	vadd.f32 v13, v1;
	v13 =	vshra.s32 v6, $0x1;
	v41 =	vmul.f32 $5.000000000e-01, v6  }
0x9e: {  	v12 =	vld [tilespmem:s23+$0x0];
	v4 =	vadd.f32 v11, v4;
	v11 =	vsub.s32 $0x5F3759DF, v13  }
0x9f: {  	v5 =	vmul.f32 v8, v5;
	v8 =	vadd.f32 v15, v1;
	v13 =	vmul.f32 v11, v41;
	v15 =	vld [tilespmem:s14+$0x0]  }
0xa0: {  	(erf) = vrcp.f32 v9;
	v42 =	vld [tilespmem:s11+$0x0];
	v4 =	vadd.f32 v7, v4  }
0xa1: {  	v3 =	vld [tilespmem:s8+$0x11600];
	v7 =	vmul.f32 v5, v14;
	v8 =	vadd.f32 v10, v8;
	v10 =	vmul.f32 v11, v13  }
0xa2: {  	v9 =	vld [tilespmem:s14+$0x100];
	(erf) = vrcp.f32 v6;
	v4 =	vadd.f32 $1.000000000e+00, v4  }
0xa3: {  	v46 =	vld [tilespmem:s14+$0x180];
	v7 =	vmul.f32 v7, v5;
	v8 =	vadd.f32 v12, v8;
	v10 =	vsub.f32 $1.500000000e+00, v10  }
0xa4: {  	s15 =	sor.u32 s9, s12;
	v50 =	vld [tilespmem:s14+$0x280];
	v44 =	vshra.s32 v4, $0x1;
	v45 =	vmul.f32 $5.000000000e-01, v4;
	v15 =	vadd.f32 v43, v15  }
0xa5: {  	v13 =	vld [tilespmem:s15+$0x0];
	v7 =	vsub.f32 $1.500000000e+00, v7;
	v8 =	vadd.f32 v42, v8;
	v47 =	vsub.s32 $0x5F3759DF, v44  }
0xa6: {  	v12 =	vld [tilespmem:s15+$0x80];
	v10 =	vmul.f32 v11, v10;
	v48 =	vmul.f32 v47, v45  }
0xa7: {  	v6 =	vld [tilespmem:s14+$0x200];
	v9 =	vadd.f32 v9, v15;
	v5 =	vmul.f32 v7, v5;
	v7 =	vadd.f32 $1.000000000e+00, v8  }
0xa8: {  	v11 =	vld [tilespmem:s15+$0x100];
	v8 =	vmul.f32 v10, v41;
	v15 =	vmul.f32 v47, v48  }
0xa9: {  	v49 =	vld [tilespmem:s15+$0x180];
	v9 =	vadd.f32 v46, v9;
	v51 =	vshra.s32 v7, $0x1;
	v52 =	vmul.f32 $5.000000000e-01, v7  }
0xaa: {  	v53 =	vld [tilespmem:s15+$0x200];
	v14 =	vmul.f32 v5, v14;
	v8 =	vmul.f32 v8, v10;
	v54 =	vsub.s32 $0x5F3759DF, v51  }
0xab: {  	v12 =	vadd.f32 v12, v13;
	v13 =	vld [tilespmem:s14+$0x300];
	v15 =	vsub.f32 $1.500000000e+00, v15;
	v22 =	vmul.f32 v54, v52  }
0xac: {  	v56 =	vld [tilespmem:s15+$0x300];
	v6 =	vadd.f32 v6, v9;
	v14 =	vmul.f32 v14, v5;
	v8 =	vsub.f32 $1.500000000e+00, v8  }
0xad: {  	s12 =	sor.u32 $0x10200, s10;
	v11 =	vadd.f32 v11, v12;
	v12 =	vld [tilespmem:s14+$0x380];
	v15 =	vmul.f32 v47, v15;
	v55 =	vmul.f32 v54, v22  }
0xae: {  	v9 =	vld [tilespmem:s15+$0x280];
	s14 =	sor.u32 s28, s12;
	v6 =	vadd.f32 v50, v6;
	v14 =	vsub.f32 $1.500000000e+00, v14;
	v8 =	vmul.f32 v8, v10  }
0xaf: {  	s23 =	sor.u32 $0x10280, s10;
	v10 =	vadd.f32 v49, v11;
	v11 =	vld [tilespmem:s14+$0x0];
	v57 =	vmul.f32 v15, v45;
	v17 =	vsub.f32 $1.500000000e+00, v55  }
0xb0: {  	s5 =	sand.u32 $0x380, s5;
	(erf) = vrcp.f32 v4;
	v6 =	vadd.f32 v13, v6;
	v13 =	vld [tilespmem:s15+$0x380];
	s15 =	sor.u32 s28, s23;
	v5 =	vmul.f32 v14, v5  }
0xb1: {  	s11 =	sor.u32 s5, s6;
	v10 =	vadd.f32 v53, v10;
	v58 =	vld [tilespmem:s15+$0x0];
	v14 =	vmul.f32 v57, v15;
	v17 =	vmul.f32 v54, v17  }
0xb2: {  	s26 =	simm.s32 $0x11620;
	v63 =	vld [tilespmem:s11+$0x11600];
	s22 =	sor.u32 $0x10300, s10;
	(erf) = vrcp.f32 v7;
	v16 =	vmul.f32 v8, v41;
	v6 =	vadd.f32 v12, v6  }
0xb3: {  	v1 =	vld [tilespmem:s26+$0x0];
	s14 =	sor.u32 s28, s22;
	v7 =	vadd.f32 v9, v10;
	v12 =	vsub.f32 $1.500000000e+00, v14;
	v10 =	vmul.f32 v17, v52  }
0xb4: {  	s12 =	sor.u32 s9, s12;
	s15 =	sor.u32 s9, s23;
	s23 =	sor.u32 $0x10380, s10;
	v9 =	vld [tilespmem:s14+$0x0];
	v62 =	vmul.f32 v5, v3;
	v6 =	vadd.f32 v11, v6;
	v11 =	vmul.f32 v16, v8  }
0xb5: {  	v4 =	vld [tilespmem:s12+$0x0];
	s12 =	sor.u32 s28, s23;
	v7 =	vadd.f32 v56, v7;
	v14 =	vpop (erf);
	v12 =	vmul.f32 v12, v15;
	v10 =	vmul.f32 v10, v17  }
0xb6: {  	s14 =	sor.u32 s9, s22;
	s22 =	sadd.s32 $0x10400, s10;
	v59 =	vld [tilespmem:s12+$0x0];
	v11 =	vsub.f32 $1.500000000e+00, v11;
	v6 =	vadd.f32 v58, v6;
	v14 =	vmul.f32 v14, v3  }
0xb7: {  	v15 =	vld [tilespmem:s15+$0x0];
	s15 =	sor.u32 s28, s22;
	v3 =	vadd.f32 v13, v7;
	v61 =	vmul.f32 v12, v45;
	v7 =	vsub.f32 $1.500000000e+00, v10  }
0xb8: {  	s12 =	sadd.s32 $0x10480, s10;
	v13 =	vld [tilespmem:s15+$0x0]  }
0xb9: {  	[tilespmem:s8+$0x11B00] =	vst v5;
	v60 =	vld [tilespmem:s14+$0x0];
	s14 =	sor.u32 s28, s12;
	v8 =	vmul.f32 v11, v8;
	v5 =	vadd.f32 v9, v6;
	v6 =	vmul.f32 v61, v12  }
0xba: {  	s15 =	sor.u32 s9, s23;
	s23 =	sadd.s32 $0x10500, s10;
	[tilespmem:s8+$0x11D80] =	vst v14;
	v4 =	vadd.f32 v4, v3;
	v14 =	vld [tilespmem:s14+$0x0];
	v3 =	vmul.f32 v7, v17  }
0xbb: {  	s25 =	simm.s32 $0x11B00;
	[tilespmem:s8+$0x11880] =	vst v62;
	s6 =	sor.u32 s28, s23;
	v9 =	vmul.f32 v8, v2;
	v10 =	vadd.f32 v59, v5;
	v5 =	vld [tilespmem:s15+$0x0];
	v6 =	vsub.f32 $1.500000000e+00, v6;
	v7 =	vpop (erf)  }
0xbc: {  	s17 =	simm.s32 $0x11880;
	s10 =	sadd.s32 $0x10580, s10;
	s8 =	sor.u32 s9, s22;
	[tilespmem:s25+$0x0] =	vst v8;
	v4 =	vadd.f32 v15, v4;
	v8 =	vmul.f32 v3, v52;
	v2 =	vmul.f32 v7, v2;
	v7 =	vld [tilespmem:s6+$0x0]  }
0xbd: {  	s2 =	simm.s32 $0x11D80;
	s14 =	sor.u32 s28, s10;
	[tilespmem:s17+$0x0] =	vst v9;
	v13 =	vadd.f32 v13, v10;
	v9 =	vld [tilespmem:s8+$0x0];
	v11 =	vpop (erf);
	v6 =	vmul.f32 v6, v12  }
0xbe: {  	s5 =	simm.s32 $0x4;
	s22 =	sor.u32 s9, s10;
	s15 =	sor.u32 s9, s12;
	v10 =	vld [tilespmem:s14+$0x0];
	v12 =	vadd.f32 v60, v4;
	v15 =	vpop (erf);
	v8 =	vmul.f32 v8, v3;
	v4 =	vmul.f32 v11, v63;
	[tilespmem:s2+$0x0] =	vst v2  }
0xbf: {  	s12 =	sor.u32 s9, s23;
	s8 =	simm.s32 $0x60;
	v13 =	vadd.f32 v14, v13;
	s6 =	simm.s32 $0x300;
	v11 =	vld [tilespmem:s15+$0x0];
	v2 =	vmul.f32 v15, v1;
	[tilespmem:s11+$0x11B00] =	vst v6;
	v6 =	vmul.f32 v6, v63  }
.LBB2_8:
0xc0: {  	s9 =	sand.u32 $0x60, s8;
	s10 =	sand.u32 $0x1C00, s6;
	v5 =	vadd.f32 v5, v12;
	v12 =	vld [tilespmem:s12+$0x0];
	v8 =	vsub.f32 $1.500000000e+00, v8;
	[tilespmem:s11+$0x11D80] =	vst v4;
	s26 =	sadd.s32 $0x20, s26  }
0xc1: {  	s5 =	sadd.s32 $0x2, s5;
	s23 =	sadd.s32 $0xEE00, s10;
	s12 =	sor.u32 $0x10, s9;
	v4 =	vld [tilespmem:s22+$0x0];
	v7 =	vadd.f32 v7, v13;
	[tilespmem:s11+$0x11880] =	vst v6  }
0xc2: {  	p1 =	slt.u32 s5, $0x26;
	s11 =	sor.u32 s9, s23;
	s22 =	sor.u32 s12, s23;
	v5 =	vadd.f32 v9, v5;
	v6 =	vld [tilespmem:s26+$0x0];
	v3 =	vmul.f32 v8, v3  }
0xc3: {  	s25 =	sadd.s32 $0x20, s25;
	v8 =	vld [tilespmem:s22+$0x0];
	v7 =	vadd.f32 v10, v7  }
0xc4: {  	v9 =	vld [tilespmem:s22+$0x80];
	v5 =	vadd.f32 v11, v5;
	[tilespmem:s25+$0x0] =	vst v3;
	v14 =	vmul.f32 v3, v1  }
0xc5: {  	s17 =	sadd.s32 $0x20, s17;
	v3 =	vld [tilespmem:s11+$0x0];
	v7 =	vadd.f32 $1.000000000e+00, v7  }
0xc6: {  	s2 =	sadd.s32 $0x20, s2;
	v10 =	vld [tilespmem:s22+$0x100];
	v5 =	vadd.f32 v12, v5;
	[tilespmem:s17+$0x0] =	vst v14  }
0xc7: {  	v11 =	vld [tilespmem:s11+$0x80];
	v12 =	vshra.s32 v7, $0x1;
	v13 =	vmul.f32 $5.000000000e-01, v7;
	(erf) = vrcp.f32 v7;
	[tilespmem:s2+$0x0] =	vst v2;
	v1 =	vmovc v6  }
0xc8: {  	v2 =	vld [tilespmem:s22+$0x180];
	v4 =	vadd.f32 v4, v5;
	v5 =	vsub.s32 $0x5F3759DF, v12  }
0xc9: {  	v6 =	vld [tilespmem:s11+$0x100];
	v7 =	vadd.f32 v9, v8;
	v8 =	vmul.f32 v5, v13  }
0xca: {  	v9 =	vld [tilespmem:s22+$0x200];
	v4 =	vadd.f32 $1.000000000e+00, v4  }
0xcb: {  	v12 =	vld [tilespmem:s11+$0x180];
	v7 =	vadd.f32 v10, v7;
	v8 =	vmul.f32 v5, v8  }
0xcc: {  	v3 =	vadd.f32 v11, v3;
	v10 =	vld [tilespmem:s22+$0x280];
	v11 =	vshra.s32 v4, $0x1;
	v14 =	vmul.f32 $5.000000000e-01, v4  }
0xcd: {  	v15 =	vld [tilespmem:s11+$0x200];
	v2 =	vadd.f32 v2, v7;
	v7 =	vsub.s32 $0x5F3759DF, v11;
	v8 =	vsub.f32 $1.500000000e+00, v8  }
0xce: {  	v3 =	vadd.f32 v6, v3;
	v6 =	vld [tilespmem:s22+$0x300];
	v16 =	vmul.f32 v7, v14;
	(erf) = vrcp.f32 v4  }
0xcf: {  	v4 =	vld [tilespmem:s11+$0x280];
	v2 =	vadd.f32 v9, v2;
	v5 =	vmul.f32 v5, v8  }
0xd0: {  	s23 =	sor.u32 $0x10200, s10;
	v3 =	vadd.f32 v12, v3;
	v8 =	vld [tilespmem:s22+$0x380];
	v9 =	vmul.f32 v7, v16;
	v11 =	vpop (erf)  }
0xd1: {  	s22 =	sor.u32 s9, s23;
	s23 =	sor.u32 s12, s23;
	v12 =	vld [tilespmem:s11+$0x300];
	v2 =	vadd.f32 v10, v2;
	v10 =	vmul.f32 v5, v13  }
0xd2: {  	s14 =	sor.u32 $0x10280, s10;
	v3 =	vadd.f32 v15, v3;
	v15 =	vld [tilespmem:s23+$0x0];
	v9 =	vsub.f32 $1.500000000e+00, v9  }
0xd3: {  	v16 =	vld [tilespmem:s11+$0x380];
	s11 =	sor.u32 s9, s14;
	v2 =	vadd.f32 v6, v2;
	s14 =	sor.u32 s12, s14;
	v6 =	vmul.f32 v10, v5  }
0xd4: {  	s23 =	sor.u32 $0x10300, s10;
	v3 =	vadd.f32 v4, v3;
	v4 =	vld [tilespmem:s14+$0x0];
	v7 =	vmul.f32 v7, v9  }
0xd5: {  	s14 =	sor.u32 s9, s23;
	v9 =	vld [tilespmem:s22+$0x0];
	v17 =	vadd.f32 v8, v2;
	s22 =	sor.u32 s12, s23;
	v6 =	vsub.f32 $1.500000000e+00, v6  }
0xd6: {  	s23 =	sor.u32 $0x10380, s10;
	v3 =	vadd.f32 v12, v3;
	v8 =	vld [tilespmem:s22+$0x0];
	v10 =	vmul.f32 v7, v14  }
0xd7: {  	s22 =	sor.u32 s9, s23;
	v12 =	vld [tilespmem:s11+$0x0];
	v15 =	vadd.f32 v15, v17;
	s11 =	sor.u32 s12, s23;
	v6 =	vmul.f32 v6, v5;
	v2 =	vpop (erf)  }
0xd8: {  	s23 =	sadd.s32 $0x10400, s10;
	v3 =	vadd.f32 v16, v3;
	v16 =	vld [tilespmem:s11+$0x0];
	v5 =	vmul.f32 v10, v7;
	v2 =	vmul.f32 v2, v1  }
0xd9: {  	s11 =	sor.u32 s12, s23;
	v10 =	vld [tilespmem:s14+$0x0];
	s14 =	sor.u32 s9, s23;
	v4 =	vadd.f32 v4, v15;
	v13 =	vmul.f32 v6, v13;
	s23 =	sand.u32 $0x380, s30  }
0xda: {  	s30 =	sadd.s32 $0x10480, s10;
	v3 =	vadd.f32 v9, v3;
	v15 =	vld [tilespmem:s11+$0x0];
	v5 =	vsub.f32 $1.500000000e+00, v5;
	s11 =	sor.u32 s23, s28;
	s28 =	smov.u32 s12  }
0xdb: {  	s23 =	sor.u32 s9, s30;
	v4 =	vadd.f32 v8, v4;
	s12 =	sor.u32 s28, s30;
	v8 =	vmul.f32 v13, v6;
	v17 =	vld [tilespmem:s11+$0x11600];
	s30 =	smov.u32 s8  }
0xdc: {  	s15 =	sadd.s32 $0x10500, s10;
	v9 =	vadd.f32 v12, v3;
	v13 =	vld [tilespmem:s12+$0x0];
	v3 =	vmul.f32 v5, v7  }
.Ltmp3:
0xdd: {  	s12 =	sor.u32 s9, s15;
	s15 =	sor.u32 s28, s15;
	v5 =	vld [tilespmem:s22+$0x0];
	v4 =	vadd.f32 v16, v4;
	v8 =	vsub.f32 $1.500000000e+00, v8;
	(pc) =	sbr.rel @p1 .LBB2_8-.Ltmp3, $4  }
0xde: {  	s10 =	sadd.s32 $0x10580, s10;
	v12 =	vadd.f32 v10, v9;
	v7 =	vld [tilespmem:s15+$0x0];
	v14 =	vmul.f32 v3, v14  }
0xdf: {  	s22 =	sor.u32 s9, s10;
	s9 =	sor.u32 s28, s10;
	v9 =	vld [tilespmem:s14+$0x0];
	v15 =	vadd.f32 v15, v4;
	v6 =	vmul.f32 v8, v6  }
0xe0: {  	v10 =	vld [tilespmem:s9+$0x0];
	v8 =	vmul.f32 v14, v3;
	v4 =	vmul.f32 v11, v17  }
0xe1: {  	s6 =	sadd.s32 $0x100, s6;
	s8 =	sadd.s32 $0x20, s8;
	v11 =	vld [tilespmem:s23+$0x0];
	v13 =	vadd.f32 v13, v15;
	[tilespmem:s11+$0x11B00] =	vst v6;
	v6 =	vmul.f32 v6, v17  }
0xe2: {  	v5 =	vadd.f32 v5, v12  }
0xe3: {  	v58 =	vld [tilespmem:s12+$0x0]  }
0xe4: {  	v5 =	vadd.f32 v9, v5  }
0xe5: {  	v9 =	vld [tilespmem:s22+$0x0]  }
0xe6: {  	v7 =	vadd.f32 v7, v13;
	v5 =	vadd.f32 v11, v5;
	_ =	sdelay $0x1  }
0xe7: {  	v7 =	vadd.f32 v10, v7;
	v5 =	vadd.f32 v58, v5;
	_ =	sdelay $0x1  }
0xe8: {  	v7 =	vadd.f32 $1.000000000e+00, v7;
	v5 =	vadd.f32 v9, v5;
	_ =	sdelay $0x1  }
0xe9: {  	v10 =	vmul.f32 $5.000000000e-01, v7;
	v9 =	vshra.s32 v7, $0x1;
	v5 =	vadd.f32 $1.000000000e+00, v5  }
0xea: {  	v9 =	vsub.s32 $0x5F3759DF, v9  }
0xeb: {  	v11 =	vmul.f32 v9, v10;
	v59 =	vshra.s32 v5, $0x1;
	v60 =	vmul.f32 $5.000000000e-01, v5  }
0xec: {  	v12 =	vsub.s32 $0x5F3759DF, v59  }
0xed: {  	v11 =	vmul.f32 v9, v11;
	v14 =	vmul.f32 v12, v60;
	_ =	sdelay $0x1  }
0xee: {  	v11 =	vsub.f32 $1.500000000e+00, v11;
	v14 =	vmul.f32 v12, v14;
	_ =	sdelay $0x1  }
0xef: {  	v9 =	vmul.f32 v9, v11;
	v11 =	vsub.f32 $1.500000000e+00, v14;
	_ =	sdelay $0x1  }
0xf0: {  	v61 =	vmul.f32 v9, v10;
	v11 =	vmul.f32 v12, v11;
	_ =	sdelay $0x1  }
0xf1: {  	v62 =	vmul.f32 v61, v9;
	v63 =	vmul.f32 v11, v60;
	_ =	sdelay $0x1  }
0xf2: {  	(erf) = vrcp.f32 v7;
	v12 =	vsub.f32 $1.500000000e+00, v62;
	v14 =	vmul.f32 v63, v11  }
0xf3: {  	v8 =	vsub.f32 $1.500000000e+00, v8  }
0xf4: {  	v7 =	vmul.f32 v12, v9;
	v9 =	vsub.f32 $1.500000000e+00, v14  }
0xf5: {  	s5 =	sand.u32 $0x380, s30;
	v3 =	vmul.f32 v8, v3  }
0xf6: {  	s5 =	sor.u32 s5, s28;
	v10 =	vmul.f32 v7, v10;
	v9 =	vmul.f32 v9, v11  }
0xf7: {  	v8 =	vld [tilespmem:s5+$0x11600];
	v1 =	vmul.f32 v3, v1;
	(erf) = vrcp.f32 v5  }
0xf8: {  	[tilespmem:s11+$0x11D80] =	vst v4;
	v5 =	vmul.f32 v10, v7;
	v10 =	vmul.f32 v9, v60  }
0xf9: {  	s8 =	sadd.s32 $0x20, s25;
	[tilespmem:s11+$0x11880] =	vst v6  }
0xfa: {  	s6 =	sadd.s32 $0x20, s26;
	s15 =	sadd.s32 $0x20, s17;
	[tilespmem:s8+$0x0] =	vst v3;
	v4 =	vsub.f32 $1.500000000e+00, v5;
	v5 =	vmul.f32 v10, v9  }
0xfb: {  	v6 =	vld [tilespmem:s6+$0x0];
	[tilespmem:s15+$0x0] =	vst v1;
	v1 =	vpop (erf)  }
0xfc: {  	s2 =	sadd.s32 $0x20, s2;
	v1 =	vmul.f32 v1, v8;
	v3 =	vmul.f32 v4, v7;
	v4 =	vsub.f32 $1.500000000e+00, v5  }
0xfd: {  	[tilespmem:s2+$0x0] =	vst v2  }
0xfe: {  	[tilespmem:s5+$0x11B00] =	vst v3;
	v2 =	vmul.f32 v3, v8;
	v3 =	vmul.f32 v4, v9  }
0xff: {  	[tilespmem:s5+$0x11D80] =	vst v1  }
0x100: {  	s17 =	sadd.s32 $0x20, s8;
	v1 =	vpop (erf);
	[tilespmem:s5+$0x11880] =	vst v2;
	v2 =	vmul.f32 v3, v6  }
0x101: {  	s22 =	sadd.s32 $0x20, s15;
	v1 =	vmul.f32 v1, v6;
	[tilespmem:s17+$0x0] =	vst v3  }
0x102: {  	s2 =	sadd.s32 $0x20, s2;
	[tilespmem:s22+$0x0] =	vst v2  }
0x103: {  	[tilespmem:s2+$0x0] =	vst v1  }
0x104: {  	s23 =	simm.s32 $0x11880;
	s2 =	rddreg [dreg:$0xa]  }
0x105: {  	[spmem:s2] =	stream.linear.scatter [tilespmem:s23], [sflag:$0x5], $0x280, $0x38;
	[tilespmem:$0x17280] =	vst v63  }
0x106: {  	_ =	swait.ge [sflag:s24], $0x280  }
0x107: {  	s5 =	simm.s32 @!p0 $0x11B00;
	[sflag:s24] =	ssyncset.done $0x0  }
0x108: {  	s2 =	simm.s32 @!p0 $0x0;
	s6 =	rddreg [dreg:$0xb];
	[sflag:s24] =	ssyncadd.s32 $0xFFFFFD80  }
0x109: {  	[hbm4b:s6+s2] =	stream.linear.scatter @!p0 [tilespmem:s5], [sflag:$0x5], $0x280, $0x38;
	[tilespmem:$0x17280] =	vst v63  }
0x10a: {  	s5 =	simm.s32 @!p0 $0x5  }
0x10b: {  	_ =	swait.ge @!p0 [sflag:s5], $0x280  }
0x10c: {  	[sflag:s5] =	ssyncset.done @!p0 $0x0  }
0x10d: {  	s6 =	simm.s32 @!p0 $0x11D80;
	s8 =	rddreg [dreg:$0xc];
	[sflag:s5] =	ssyncadd.s32 @!p0 $0xFFFFFD80  }
0x10e: {  	[hbm4b:s8+s2] =	stream.linear.scatter @!p0 [tilespmem:s6], [sflag:$0x5], $0x280, $0x38;
	[tilespmem:$0x17280] =	vst v63  }
0x10f: {  	_ =	swait.ge @!p0 [sflag:s5], $0x280  }
0x110: {  	[sflag:s5] =	ssyncset.done @!p0 $0x0  }
0x111: {  	[sflag:s5] =	ssyncadd.s32 @!p0 $0xFFFFFD80  }
0x112: {  	[bflag:$0x0] =	sbarrier.arrive $0xFFFF  }
0x113: {  	s25 =	rddreg [dreg:$0x4]  }
0x114: {  	[tilespmem:s31], [sflag:$0x5] =	stream.linear.gather [spmem:s25], $0x2800, $0x38;
	[tilespmem:$0x17280] =	vst v63  }
0x115: {  	_ =	swait.ge [sflag:s24], $0x2800  }
0x116: {  	[sflag:s24] =	ssyncset.done $0x0  }
0x117: {  	[sflag:s24] =	ssyncadd.s32 $0xFFFFD800  }
0x118: {  	s26 =	simm.s32 $0x0;
	_ =	swait.ge [sflag:s1], $0x2800  }
0x119: {  	s28 =	sand.u32 $0xFFFFFF00, s16;
	s2 =	sand.u32 $0x40, s26;
	[sflag:s1] =	ssyncset.done $0x0  }
0x11a: {  	s2 =	sor.u32 s2, s28;
	[sflag:s1] =	ssyncadd.s32 $0xFFFFD800  }
0x11b: {  	v4 =	vld [tilespmem:s2+$0x30]  }
0x11c: {  	v5 =	vld [tilespmem:s2+$0x0]  }
0x11d: {  	v9 =	vld [tilespmem:s2+$0x10]  }
0x11e: {  	v10 =	vld [tilespmem:s2+$0x20];
	_ =	sdelay $0x2  }
0x11f: {  	v2 =	vld [tilespmem:s2+$0x90]  }
0x120: {  	p1 =	por $0x0, $0x0;
	s6 =	simm.s32 $0x1;
	v1 =	vld [tilespmem:s2+$0xA0]  }
0x121: {  	p3 =	sgt.u32 s13, $0x4;
	s6 =	simm.s32 @!p1 $0x0;
	v8 =	vld.idx.msk [tilespmem:v4+s31+$0x0], $0xffff  }
.Ltmp4:
0x122: {  	s30 =	sshll.u32 s6, $0x6;
	v7 =	vld.idx.msk [tilespmem:v5+s31+$0x0], $0xffff;
	(pc) =	sbr.rel @!p3 .LBB2_10-.Ltmp4, $4  }
0x123: {  	s5 =	sadd.s32 s30, s16;
	v5 =	vld.idx.msk [tilespmem:v9+s31+$0x0], $0xffff  }
0x124: {  	s5 =	sor.u32 $0x80, s5;
	v4 =	vld.idx.msk [tilespmem:v10+s31+$0x0], $0xffff  }
0x125: {  	v3 =	vld [tilespmem:s5+$0x0]  }
0x126: {  	p2 =	por !p1, !p1;
	v6 =	vld [tilespmem:s2+$0xB0]  }
0x127: {  	_ =	sdelay $0x4  }
0x128: {  	s2 =	simm.s32 $0x40;
	s5 =	sadd.s32 $0x80, s16  }
0x129: {  	s6 =	sand.u32 $0x40, s2;
	s8 =	sand.u32 $0xFFFFFF00, s5  }
0x12a: {  	s6 =	sor.u32 s6, s8;
	[tilespmem:v3+s19+$0x0] =	vst.idx.add.f32.msk $0xffff, v7  }
0x12b: {  	v7 =	vld [tilespmem:s6+$0x30]  }
0x12c: {  	v9 =	vld [tilespmem:s6+$0x0]  }
0x12d: {  	v10 =	vld [tilespmem:s6+$0x10]  }
0x12e: {  	s9 =	simm.s32 $0x1;
	v13 =	vld [tilespmem:s6+$0x20]  }
0x12f: {  	s9 =	simm.s32 @!p2 $0x0;
	v12 =	vld [tilespmem:s6+$0x90]  }
0x130: {  	s30 =	sshll.u32 s9, $0x6;
	v11 =	vld [tilespmem:s6+$0xA0]  }
0x131: {  	s8 =	sadd.s32 s30, s5;
	[tilespmem:v6+s19+$0x0] =	vst.idx.add.f32.msk $0xffff, v8  }
0x132: {  	p3 =	sgt.u32 s13, $0x8;
	s8 =	sor.u32 $0x80, s8;
	v6 =	vld [tilespmem:s6+$0xB0]  }
.Ltmp5:
0x133: {  	v3 =	vld [tilespmem:s8+$0x0];
	(pc) =	sbr.rel @!p3 .LBB2_12-.Ltmp5, $4  }
0x134: {  	v8 =	vld.idx.msk [tilespmem:v7+s31+$0x0], $0xffff  }
0x135: {  	v7 =	vld.idx.msk [tilespmem:v9+s31+$0x0], $0xffff  }
0x136: {  	p1 =	por $0x1, $0x1;
	s11 =	simm.s32 $0x80;
	v10 =	vld.idx.msk [tilespmem:v10+s31+$0x0], $0xffff  }
0x137: {  	s12 =	simm.s32 $0x400;
	p2 =	por !p2, !p2;
	s6 =	simm.s32 $0x8;
	v9 =	vld.idx.msk [tilespmem:v13+s31+$0x0], $0xffff  }
.LBB2_13:
0x138: {  	s8 =	simm.s32 $0x1  }
0x139: {  	[tilespmem:v2+s19+$0x0] =	vst.idx.add.f32.msk $0xffff, v5;
	v2 =	vmov v12;
	s8 =	simm.s32 @!p2 $0x0  }
0x13a: {  	s2 =	sadd.s32 $0x40, s2;
	s5 =	sadd.s32 $0x80, s5;
	s8 =	sshll.u32 s8, $0x6;
	[tilespmem:v1+s19+$0x0] =	vst.idx.add.f32.msk $0xffff, v4;
	v1 =	vmov v11  }
0x13b: {  	s6 =	sadd.s32 $0x4, s6;
	s9 =	sand.u32 $0x40, s2;
	s10 =	sand.u32 $0xFFFFFF00, s5;
	[tilespmem:v6+s19+$0x0] =	vst.idx.add.f32.msk $0xffff, v8  }
0x13c: {  	p3 =	slt.u32 s6, s13;
	s9 =	sor.u32 s9, s10;
	s8 =	sadd.s32 s8, s5;
	[tilespmem:v3+s19+$0x0] =	vst.idx.add.f32.msk $0xffff, v7  }
0x13d: {  	v5 =	vmov v10;
	s8 =	sor.u32 $0x80, s8;
	v7 =	vld [tilespmem:s9+$0x30]  }
0x13e: {  	v4 =	vmov v9;
	v10 =	vld [tilespmem:s9+$0x0]  }
0x13f: {  	v9 =	vld [tilespmem:s9+$0x10]  }
0x140: {  	v13 =	vld [tilespmem:s9+$0x20]  }
0x141: {  	v3 =	vld [tilespmem:s8+$0x0]  }
0x142: {  	v12 =	vld [tilespmem:s9+$0x90]  }
0x143: {  	v6 =	vld [tilespmem:s9+$0xB0]  }
.Ltmp6:
0x144: {  	v11 =	vld [tilespmem:s9+$0xA0];
	(pc) =	sbr.rel @p3 .LBB2_13-.Ltmp6, $4  }
0x145: {  	v8 =	vld.idx.msk [tilespmem:v7+s31+$0x0], $0xffff  }
0x146: {  	v7 =	vld.idx.msk [tilespmem:v10+s31+$0x0], $0xffff  }
0x147: {  	v10 =	vld.idx.msk [tilespmem:v9+s31+$0x0], $0xffff  }
0x148: {  	p2 =	por !p2, !p2;
	v9 =	vld.idx.msk [tilespmem:v13+s31+$0x0], $0xffff  }
0x149: {  	_ =	sdelay $0x2  }
0x14a: {  	v13 =	vmov v5;
	v14 =	vmov v2;
	v15 =	vmov v4  }
0x14b: {  	v16 =	vmovc v1;
	v2 =	vmovc v12;
	v1 =	vmov v11;
	v5 =	vmov v10;
	v4 =	vmov v9  }
.LBB2_15:
0x14c: {  	_ =	sdelay $0x3  }
0x14d: {  	[tilespmem:v14+s19+$0x0] =	vst.idx.add.f32.msk @p1 $0xffff, v13  }
0x14e: {  	[tilespmem:v16+s19+$0x0] =	vst.idx.add.f32.msk @p1 $0xffff, v15  }
0x14f: {  	[tilespmem:v6+s19+$0x0] =	vst.idx.add.f32.msk $0xffff, v8  }
0x150: {  	[tilespmem:v3+s19+$0x0] =	vst.idx.add.f32.msk $0xffff, v7  }
0x151: {  	[tilespmem:v2+s19+$0x0] =	vst.idx.add.f32.msk $0xffff, v5  }
0x152: {  	[tilespmem:v1+s19+$0x0] =	vst.idx.add.f32.msk $0xffff, v4  }
0x153: {  	s2 =	rddreg [dreg:$0xd]  }
0x154: {  	[hbm4b:s2+s11] =	stream.strided.scatter [tilespmem:s19], [sflag:$0x5], $0x2800, s12, s11, $0x38;
	[tilespmem:$0x17280] =	vst v63  }
0x155: {  	_ =	swait.ge [sflag:s24], $0x2800  }
0x156: {  	s0 =	sadd.s32 $0x1, s0;
	s30 =	rddreg [dreg:$0xe]  }
0x157: {  	p1 =	seq.s32 s0, s30  }
.Ltmp7:
0x158: {  	_ = 	snop;
	(pc) =	sbr.rel @!p1 .LBB2_1-.Ltmp7, $4  }
.Ltmp8:
0x159: {  	_ = 	snop;
	(pc) =	sbr.rel @p1 .LBB2_16-.Ltmp8, $4  }
0x15a: {  	_ = 	snop  }
0x15b: {  	[sflag:s24] =	ssyncset.done $0x0  }
0x15c: {  	[sflag:s24] =	ssyncadd.s32 $0xFFFFD800  }
0x15d: {  	_ = 	snop  }
.LBB2_2:
.Ltmp9:
0x15e: {  	(pc) =	sbr.rel .LBB2_7-.Ltmp9, $2  }
0x15f: {  	_ =	sdelay $0x2  }
0x160: {  	_ = 	snop  }
.LBB2_10:
.Ltmp10:
0x161: {  	(pc) =	sbr.rel .LBB2_15-.Ltmp10, $2  }
0x162: {  	_ =	sdelay $0x2  }
0x163: {  	s11 =	simm.s32 $0x80;
	s12 =	simm.s32 $0x400  }
.LBB2_4:
.Ltmp11:
0x164: {  	_ = 	snop;
	(pc) =	sbr.rel .LBB2_7-.Ltmp11, $2  }
0x165: {  	_ =	sdelay $0x2  }
0x166: {  	v8 =	vmovc v2;
	v9 =	vmovc v3;
	v5 =	vmov v7;
	v2 =	vmov v6;
	v3 =	vmov v4  }
.LBB2_12:
.Ltmp12:
0x167: {  	_ = 	snop;
	(pc) =	sbr.rel .LBB2_15-.Ltmp12, $3  }
0x168: {  	_ =	sdelay $0x1  }
0x169: {  	v13 =	vmov v5;
	v14 =	vmov v2;
	v15 =	vmov v4  }
0x16a: {  	v16 =	vmovc v1;
	v2 =	vmovc v12;
	v1 =	vmov v11;
	v5 =	vmov v10;
	v4 =	vmov v9  }
.LBB2_16:
0x16b: {  	_ =	sfence.sel $0x180000  }
0x16c: {  	[bflag:$0x0] =	sbarrier.arrive $0xFFFF  }
0x16d: {  	_ =	strace $0x90000047  }
0x16e: {  	s0 =	stileid.u32;
	[bflag:$0x2] =	sbarrier.arrive $0xFFFF  }
0x16f: {  	p0 =	sne.s32 s0, $0x0;
	s0 =	rddreg [dreg:$0x5]  }
0x170: {  	s0 =	sadd.s32 @!p0 $0x100000, s0  }
0x171: {  	[sflag:s0] =	ssyncadd.tile.s32 @!p0 $0x1;
	_ =	shalt  }
.Lfunc_end2:
_tile_overlayer_lowered:
.L_overlay_start_2:
0x172: {  	(tag) =	ssettag $0x2  }
0x173: {  	s0 =	rddreg [dreg:$0x0];
	s2 =	stileid.u32  }
0x174: {  	s1 =	rddreg [dreg:$0x1];
	p0 =	sne.s32 s2, $0x0  }
0x175: {  	s3 =	rddreg [dreg:$0x2];
	[bflag:$0x3] =	sbarrier.arrive $0xFFFF;
	s2 =	simm.s32 @!p0 $0x1C05  }
0x176: {  	[timem:s3], [sflag:s2] =	dma.local @!p0 [hbm:s0], s1  }
0x177: {  	s0 =	simm.s32 @!p0 $0x5  }
0x178: {  	_ =	swait.ge @!p0 [sflag:s0], s1  }
0x179: {  	s1 =	ssub.s32 @!p0 $0x0, s1;
	[sflag:s0] =	ssyncset.done @!p0 $0x0  }
0x17a: {  	[sflag:s0] =	ssyncadd.s32 @!p0 s1  }
0x17b: {  	[bflag:$0x3] =	sbarrier.arrive $0xFFFF  }
0x17c: {  	_ =	shalt  }

</sc_bundles>
